<compile_context>
chip_gen: v7x
topology: tpu7x:2x2x1
jax: 0.10.2.dev20260603
libtpu: 0.0.44.dev20260713+nightly
codegen_flags: <defaults>
</compile_context>

<pallas_src>
import functools

import jax
import jax.numpy as jnp
from jax import lax
from jax.experimental import pallas as pl
from jax.experimental.pallas import tpu as pltpu
from jax.experimental.pallas import tpu_sc as plsc

_ALPHA = 4
_NC = 2
_NS = 16

_NBUF = 6
_RAHEAD = 3

_SC_NBUF = 4
_SC_RAHEAD = 2


def _dma_ring(rd, wr, n, nbuf, rahead):
    for i in range(min(rahead, n)):
        rd(i).start()
    for u in range(n):
        rd(u).wait()
        wr(u).start()
        m = u + rahead
        if m < n:
            if m >= nbuf:
                wr(m - nbuf).wait()
            rd(m).start()
    for u in range(max(0, n - nbuf), n):
        wr(u).wait()


def _tc_copy_body(blk_t, ts, te, nbuf, rahead, x_hbm, o_hbm, *rest):
    B = x_hbm.shape[0]
    units_per_b = (te - ts) // blk_t
    n_units = B * units_per_b
    bufs = rest[:nbuf]
    rsems = rest[nbuf:2 * nbuf]
    wsems = rest[2 * nbuf:3 * nbuf]

    def rd(u):
        b, t0 = u // units_per_b, ts + (u % units_per_b) * blk_t
        return pltpu.make_async_copy(
            x_hbm.at[b, pl.ds(t0, blk_t)], bufs[u % nbuf], rsems[u % nbuf])

    def wr(u):
        b, t0 = u // units_per_b, ts + (u % units_per_b) * blk_t
        return pltpu.make_async_copy(
            bufs[u % nbuf], o_hbm.at[b, pl.ds(t0, blk_t)], wsems[u % nbuf])

    _dma_ring(rd, wr, n_units, nbuf, rahead)


def _sc_gather_body(T, S, frames_hbm, out_hbm, *rest):
    c = lax.axis_index("c")
    s = lax.axis_index("s")
    w = c * _NS + s
    b = w // S
    j = w % S
    t = (j * (T - 1)) // (S - 1)

    bufs = rest[:_SC_NBUF]
    rsems = rest[_SC_NBUF:2 * _SC_NBUF]
    wsems = rest[2 * _SC_NBUF:3 * _SC_NBUF]

    C, H = frames_hbm.shape[2], frames_hbm.shape[3]
    hh = H // 2
    n_units = C * 2

    def rd(u):
        ch, h0 = u // 2, (u % 2) * hh
        return pltpu.make_async_copy(
            frames_hbm.at[b, t, ch, pl.ds(h0, hh)],
            bufs[u % _SC_NBUF], rsems[u % _SC_NBUF])

    def wr(u):
        ch, h0 = u // 2, (u % 2) * hh
        return pltpu.make_async_copy(
            bufs[u % _SC_NBUF],
            out_hbm.at[b, j, ch, pl.ds(h0, hh)], wsems[u % _SC_NBUF])

    _dma_ring(rd, wr, n_units, _SC_NBUF, _SC_RAHEAD)


def kernel(frames):
    B, T, C, H, W = frames.shape
    S = T // _ALPHA
    assert B * S == _NC * _NS, "one slow frame per SC vector subcore"
    import numpy as _np
    _expect = _np.linspace(0.0, T - 1, S).astype(_np.int32)
    _got = (_np.arange(S) * (T - 1)) // (S - 1)
    assert _np.array_equal(_expect, _got), (_expect, _got)

    slow = pl.kernel(
        functools.partial(_sc_gather_body, T, S),
        out_type=jax.ShapeDtypeStruct((B, S, C, H, W), jnp.float32),
        mesh=plsc.VectorSubcoreMesh(core_axis_name="c", subcore_axis_name="s"),
        scratch_types=(
            [pltpu.VMEM((H // 2, W), jnp.float32)] * _SC_NBUF
            + [pltpu.SemaphoreType.DMA] * (2 * _SC_NBUF)
        ),
    )(frames)

    blk_t = 8
    fast = pl.pallas_call(
        functools.partial(_tc_copy_body, blk_t, 0, T, _NBUF, _RAHEAD),
        in_specs=[pl.BlockSpec(memory_space=pltpu.HBM)],
        out_specs=pl.BlockSpec(memory_space=pltpu.HBM),
        out_shape=jax.ShapeDtypeStruct((B, T, C, H, W), jnp.float32),
        scratch_shapes=(
            [pltpu.VMEM((blk_t, C, H, W), jnp.float32)] * _NBUF
            + [pltpu.SemaphoreType.DMA] * (2 * _NBUF)
        ),
    )(frames)

    return (slow, fast)

# --- scband reference (transcript-rebuilt; emitter-appended) ---
"""Pipeline reference for scband-pack-pathway-42039139893955 (READ-ONLY COPY).

The authoritative reference and input builder live on the scoring server;
editing this copy changes nothing except your own understanding.
"""

import jax, jax.numpy as jnp
import numpy as np


def setup_inputs(seed: int = 0) -> dict:
    key = jax.random.key(seed)
    frames = jax.random.normal(key, (4, 32, 3, 224, 224), dtype=jnp.float32)
    return {"frames": frames}


def reference(frames):
    # PackPathway.forward: fast pathway = frames; slow pathway = temporal
    # subsample of dim 1 by alpha=4 via index_select with truncated linspace.
    alpha = 4
    T = frames.shape[1]
    idx = jnp.linspace(0.0, T - 1, T // alpha).astype(jnp.int32)  # matches torch .long() truncation
    slow_pathway = jnp.take(frames, idx, axis=1)
    fast_pathway = frames
    return (slow_pathway, fast_pathway)

if __name__ == "__main__":
    import jax
    _d = setup_inputs()
    print(jax.jit(kernel)(*tuple(_d.values())))

</pallas_src>

<mosaic_0001>
#map = affine_map<(d0, d1) -> (0, 0, 0, 0, 0)>
module attributes {stable_mosaic.version = 14 : i64} {
  func.func @_sc_gather_body(%arg0: i32, %arg1: i32, %arg2: memref<4x32x3x224x224xf32, #tpu.memory_space<hbm>>, %arg3: memref<4x8x3x224x224xf32, #tpu.memory_space<hbm>>, %arg4: memref<112x224xf32, #tpu.memory_space<vmem>>, %arg5: memref<112x224xf32, #tpu.memory_space<vmem>>, %arg6: memref<112x224xf32, #tpu.memory_space<vmem>>, %arg7: memref<112x224xf32, #tpu.memory_space<vmem>>, %arg8: memref<!tpu.dma_semaphore, #tpu.memory_space<semaphore_mem>>, %arg9: memref<!tpu.dma_semaphore, #tpu.memory_space<semaphore_mem>>, %arg10: memref<!tpu.dma_semaphore, #tpu.memory_space<semaphore_mem>>, %arg11: memref<!tpu.dma_semaphore, #tpu.memory_space<semaphore_mem>>, %arg12: memref<!tpu.dma_semaphore, #tpu.memory_space<semaphore_mem>>, %arg13: memref<!tpu.dma_semaphore, #tpu.memory_space<semaphore_mem>>, %arg14: memref<!tpu.dma_semaphore, #tpu.memory_space<semaphore_mem>>, %arg15: memref<!tpu.dma_semaphore, #tpu.memory_space<semaphore_mem>>) attributes {dimension_semantics = [#tpu.dimension_semantics<core_parallel>, #tpu.dimension_semantics<subcore_parallel>], iteration_bounds = array<i64: 2, 16>, scalar_prefetch = 0 : i64, scratch_operands = 12 : i64, tpu.core_type = #tpu.core_type<sc_vector_subcore>, window_params = [{transform_indices = #map}, {transform_indices = #map}]} {
    %mul3A = arith.constant 16 : i32
    %mul3A_0 = arith.muli %arg0, %mul3A : i32
    %add3A = arith.addi %mul3A_0, %arg1 : i32
    %jit3A = arith.constant 8 : i32
    %div3A = arith.divsi %add3A, %jit3A : i32
    %sign3A = arith.constant 0 : i32
    %sign3A_1 = arith.cmpi sgt, %add3A, %sign3A : i32
    %sign3A_2 = arith.extui %sign3A_1 : i1 to i32
    %sign3A_3 = arith.constant 0 : i32
    %sign3A_4 = arith.cmpi slt, %add3A, %sign3A_3 : i32
    %sign3A_5 = arith.extui %sign3A_4 : i1 to i32
    %sign3A_6 = arith.subi %sign3A_2, %sign3A_5 : i32
    %sign3A_7 = arith.constant 0 : i32
    %sign3A_8 = arith.cmpi sgt, %jit3A, %sign3A_7 : i32
    %sign3A_9 = arith.extui %sign3A_8 : i1 to i32
    %sign3A_10 = arith.constant 0 : i32
    %sign3A_11 = arith.cmpi slt, %jit3A, %sign3A_10 : i32
    %sign3A_12 = arith.extui %sign3A_11 : i1 to i32
    %sign3A_13 = arith.subi %sign3A_9, %sign3A_12 : i32
    %ne3A = arith.cmpi ne, %sign3A_6, %sign3A_13 : i32
    %rem3A = arith.remsi %add3A, %jit3A : i32
    %ne3A_14 = arith.constant 0 : i32
    %ne3A_15 = arith.cmpi ne, %rem3A, %ne3A_14 : i32
    %and3A = arith.andi %ne3A, %ne3A_15 : i1
    %sub3A = arith.constant 1 : i32
    %sub3A_16 = arith.subi %div3A, %sub3A : i32
    %select_n3A = arith.select %and3A, %sub3A_16, %div3A : i32
    %jit3A_17 = arith.constant 8 : i32
    %eq3A = arith.constant 0 : i32
    %eq3A_18 = arith.cmpi eq, %jit3A_17, %eq3A : i32
    %jit3A_19 = arith.constant 1 : i32
    %select_n3A_20 = arith.select %eq3A_18, %jit3A_19, %jit3A_17 : i32
    %rem3A_21 = arith.remsi %add3A, %select_n3A_20 : i32
    %ne3A_22 = arith.constant 0 : i32
    %ne3A_23 = arith.cmpi ne, %rem3A_21, %ne3A_22 : i32
    %lt3A = arith.constant 0 : i32
    %lt3A_24 = arith.cmpi slt, %rem3A_21, %lt3A : i32
    %lt3A_25 = arith.constant 0 : i32
    %lt3A_26 = arith.cmpi slt, %select_n3A_20, %lt3A_25 : i32
    %ne3A_27 = arith.xori %lt3A_24, %lt3A_26 : i1
    %and3A_28 = arith.andi %ne3A_27, %ne3A_23 : i1
    %add3A_29 = arith.addi %rem3A_21, %select_n3A_20 : i32
    %select_n3A_30 = arith.select %and3A_28, %add3A_29, %rem3A_21 : i32
    %mul3A_31 = arith.constant 31 : i32
    %mul3A_32 = arith.muli %select_n3A_30, %mul3A_31 : i32
    %jit3A_33 = arith.constant 7 : i32
    %div3A_34 = arith.divsi %mul3A_32, %jit3A_33 : i32
    %sign3A_35 = arith.constant 0 : i32
    %sign3A_36 = arith.cmpi sgt, %mul3A_32, %sign3A_35 : i32
    %sign3A_37 = arith.extui %sign3A_36 : i1 to i32
    %sign3A_38 = arith.constant 0 : i32
    %sign3A_39 = arith.cmpi slt, %mul3A_32, %sign3A_38 : i32
    %sign3A_40 = arith.extui %sign3A_39 : i1 to i32
    %sign3A_41 = arith.subi %sign3A_37, %sign3A_40 : i32
    %sign3A_42 = arith.constant 0 : i32
    %sign3A_43 = arith.cmpi sgt, %jit3A_33, %sign3A_42 : i32
    %sign3A_44 = arith.extui %sign3A_43 : i1 to i32
    %sign3A_45 = arith.constant 0 : i32
    %sign3A_46 = arith.cmpi slt, %jit3A_33, %sign3A_45 : i32
    %sign3A_47 = arith.extui %sign3A_46 : i1 to i32
    %sign3A_48 = arith.subi %sign3A_44, %sign3A_47 : i32
    %ne3A_49 = arith.cmpi ne, %sign3A_41, %sign3A_48 : i32
    %rem3A_50 = arith.remsi %mul3A_32, %jit3A_33 : i32
    %ne3A_51 = arith.constant 0 : i32
    %ne3A_52 = arith.cmpi ne, %rem3A_50, %ne3A_51 : i32
    %and3A_53 = arith.andi %ne3A_49, %ne3A_52 : i1
    %sub3A_54 = arith.constant 1 : i32
    %sub3A_55 = arith.subi %div3A_34, %sub3A_54 : i32
    %select_n3A_56 = arith.select %and3A_53, %sub3A_55, %div3A_34 : i32
    %dma_start3A = arith.constant 0 : i32
    %dma_start3A_57 = arith.constant 0 : i32
    %dma_start3A_58 = arith.constant 0 : i32
    %dma_start3A_59 = tpu.memref_slice %arg2[%select_n3A, %select_n3A_56, %dma_start3A, %dma_start3A_57, %dma_start3A_58] : memref<4x32x3x224x224xf32, #tpu.memory_space<hbm>> -> memref<1x1x1x112x224xf32, #tpu.memory_space<hbm>>
    %dma_start3A_60 = tpu.memref_squeeze %dma_start3A_59 : memref<1x1x1x112x224xf32, #tpu.memory_space<hbm>> -> memref<112x224xf32, #tpu.memory_space<hbm>>
    %dma_start3A_61 = arith.constant 0 : i32
    %dma_start3A_62 = arith.constant 0 : i32
    %dma_start3A_63 = tpu.memref_slice %arg2[%select_n3A, %select_n3A_56, %dma_start3A, %dma_start3A_61, %dma_start3A_62] : memref<4x32x3x224x224xf32, #tpu.memory_space<hbm>> -> memref<1x1x1x112x224xf32, #tpu.memory_space<hbm>>
    %dma_start3A_64 = tpu.memref_squeeze %dma_start3A_63 : memref<1x1x1x112x224xf32, #tpu.memory_space<hbm>> -> memref<112x224xf32, #tpu.memory_space<hbm>>
    tpu.enqueue_dma source(%dma_start3A_64 : memref<112x224xf32, #tpu.memory_space<hbm>>) target(%arg4 : memref<112x224xf32, #tpu.memory_space<vmem>>) target_semaphore(%arg8 : memref<!tpu.dma_semaphore, #tpu.memory_space<semaphore_mem>>)
    %dma_start3A_65 = arith.constant 0 : i32
    %dma_start3A_66 = arith.constant 112 : i32
    %dma_start3A_67 = arith.constant 0 : i32
    %dma_start3A_68 = tpu.memref_slice %arg2[%select_n3A, %select_n3A_56, %dma_start3A_65, %dma_start3A_66, %dma_start3A_67] : memref<4x32x3x224x224xf32, #tpu.memory_space<hbm>> -> memref<1x1x1x112x224xf32, #tpu.memory_space<hbm>>
    %dma_start3A_69 = tpu.memref_squeeze %dma_start3A_68 : memref<1x1x1x112x224xf32, #tpu.memory_space<hbm>> -> memref<112x224xf32, #tpu.memory_space<hbm>>
    %dma_start3A_70 = arith.constant 112 : i32
    %dma_start3A_71 = arith.constant 0 : i32
    %dma_start3A_72 = tpu.memref_slice %arg2[%select_n3A, %select_n3A_56, %dma_start3A_65, %dma_start3A_70, %dma_start3A_71] : memref<4x32x3x224x224xf32, #tpu.memory_space<hbm>> -> memref<1x1x1x112x224xf32, #tpu.memory_space<hbm>>
    %dma_start3A_73 = tpu.memref_squeeze %dma_start3A_72 : memref<1x1x1x112x224xf32, #tpu.memory_space<hbm>> -> memref<112x224xf32, #tpu.memory_space<hbm>>
    tpu.enqueue_dma source(%dma_start3A_73 : memref<112x224xf32, #tpu.memory_space<hbm>>) target(%arg5 : memref<112x224xf32, #tpu.memory_space<vmem>>) target_semaphore(%arg9 : memref<!tpu.dma_semaphore, #tpu.memory_space<semaphore_mem>>)
    %dma_wait3A = arith.constant 0 : i32
    %dma_wait3A_74 = arith.constant 0 : i32
    %dma_wait3A_75 = arith.constant 0 : i32
    %dma_wait3A_76 = tpu.memref_slice %arg2[%select_n3A, %select_n3A_56, %dma_wait3A, %dma_wait3A_74, %dma_wait3A_75] : memref<4x32x3x224x224xf32, #tpu.memory_space<hbm>> -> memref<1x1x1x112x224xf32, #tpu.memory_space<hbm>>
    %dma_wait3A_77 = tpu.memref_squeeze %dma_wait3A_76 : memref<1x1x1x112x224xf32, #tpu.memory_space<hbm>> -> memref<112x224xf32, #tpu.memory_space<hbm>>
    %dma_wait3A_78 = arith.constant 0 : i32
    %dma_wait3A_79 = arith.constant 0 : i32
    %dma_wait3A_80 = tpu.memref_slice %arg2[%select_n3A, %select_n3A_56, %dma_wait3A, %dma_wait3A_78, %dma_wait3A_79] : memref<4x32x3x224x224xf32, #tpu.memory_space<hbm>> -> memref<1x1x1x112x224xf32, #tpu.memory_space<hbm>>
    %dma_wait3A_81 = tpu.memref_squeeze %dma_wait3A_80 : memref<1x1x1x112x224xf32, #tpu.memory_space<hbm>> -> memref<112x224xf32, #tpu.memory_space<hbm>>
    tpu.wait_dma2 semaphore(%arg8 : memref<!tpu.dma_semaphore, #tpu.memory_space<semaphore_mem>>) src(%dma_wait3A_81 : memref<112x224xf32, #tpu.memory_space<hbm>>) dst(%arg4 : memref<112x224xf32, #tpu.memory_space<vmem>>)
    %dma_start3A_82 = arith.constant 0 : i32
    %dma_start3A_83 = arith.constant 0 : i32
    %dma_start3A_84 = arith.constant 0 : i32
    %dma_start3A_85 = tpu.memref_slice %arg3[%select_n3A, %select_n3A_30, %dma_start3A_82, %dma_start3A_83, %dma_start3A_84] : memref<4x8x3x224x224xf32, #tpu.memory_space<hbm>> -> memref<1x1x1x112x224xf32, #tpu.memory_space<hbm>>
    %dma_start3A_86 = tpu.memref_squeeze %dma_start3A_85 : memref<1x1x1x112x224xf32, #tpu.memory_space<hbm>> -> memref<112x224xf32, #tpu.memory_space<hbm>>
    %dma_start3A_87 = arith.constant 0 : i32
    %dma_start3A_88 = arith.constant 0 : i32
    %dma_start3A_89 = tpu.memref_slice %arg3[%select_n3A, %select_n3A_30, %dma_start3A_82, %dma_start3A_87, %dma_start3A_88] : memref<4x8x3x224x224xf32, #tpu.memory_space<hbm>> -> memref<1x1x1x112x224xf32, #tpu.memory_space<hbm>>
    %dma_start3A_90 = tpu.memref_squeeze %dma_start3A_89 : memref<1x1x1x112x224xf32, #tpu.memory_space<hbm>> -> memref<112x224xf32, #tpu.memory_space<hbm>>
    tpu.enqueue_dma source(%arg4 : memref<112x224xf32, #tpu.memory_space<vmem>>) target(%dma_start3A_90 : memref<112x224xf32, #tpu.memory_space<hbm>>) target_semaphore(%arg12 : memref<!tpu.dma_semaphore, #tpu.memory_space<semaphore_mem>>)
    %dma_start3A_91 = arith.constant 1 : i32
    %dma_start3A_92 = arith.constant 0 : i32
    %dma_start3A_93 = arith.constant 0 : i32
    %dma_start3A_94 = tpu.memref_slice %arg2[%select_n3A, %select_n3A_56, %dma_start3A_91, %dma_start3A_92, %dma_start3A_93] : memref<4x32x3x224x224xf32, #tpu.memory_space<hbm>> -> memref<1x1x1x112x224xf32, #tpu.memory_space<hbm>>
    %dma_start3A_95 = tpu.memref_squeeze %dma_start3A_94 : memref<1x1x1x112x224xf32, #tpu.memory_space<hbm>> -> memref<112x224xf32, #tpu.memory_space<hbm>>
    %dma_start3A_96 = arith.constant 0 : i32
    %dma_start3A_97 = arith.constant 0 : i32
    %dma_start3A_98 = tpu.memref_slice %arg2[%select_n3A, %select_n3A_56, %dma_start3A_91, %dma_start3A_96, %dma_start3A_97] : memref<4x32x3x224x224xf32, #tpu.memory_space<hbm>> -> memref<1x1x1x112x224xf32, #tpu.memory_space<hbm>>
    %dma_start3A_99 = tpu.memref_squeeze %dma_start3A_98 : memref<1x1x1x112x224xf32, #tpu.memory_space<hbm>> -> memref<112x224xf32, #tpu.memory_space<hbm>>
    tpu.enqueue_dma source(%dma_start3A_99 : memref<112x224xf32, #tpu.memory_space<hbm>>) target(%arg6 : memref<112x224xf32, #tpu.memory_space<vmem>>) target_semaphore(%arg10 : memref<!tpu.dma_semaphore, #tpu.memory_space<semaphore_mem>>)
    %dma_wait3A_100 = arith.constant 0 : i32
    %dma_wait3A_101 = arith.constant 112 : i32
    %dma_wait3A_102 = arith.constant 0 : i32
    %dma_wait3A_103 = tpu.memref_slice %arg2[%select_n3A, %select_n3A_56, %dma_wait3A_100, %dma_wait3A_101, %dma_wait3A_102] : memref<4x32x3x224x224xf32, #tpu.memory_space<hbm>> -> memref<1x1x1x112x224xf32, #tpu.memory_space<hbm>>
    %dma_wait3A_104 = tpu.memref_squeeze %dma_wait3A_103 : memref<1x1x1x112x224xf32, #tpu.memory_space<hbm>> -> memref<112x224xf32, #tpu.memory_space<hbm>>
    %dma_wait3A_105 = arith.constant 112 : i32
    %dma_wait3A_106 = arith.constant 0 : i32
    %dma_wait3A_107 = tpu.memref_slice %arg2[%select_n3A, %select_n3A_56, %dma_wait3A_100, %dma_wait3A_105, %dma_wait3A_106] : memref<4x32x3x224x224xf32, #tpu.memory_space<hbm>> -> memref<1x1x1x112x224xf32, #tpu.memory_space<hbm>>
    %dma_wait3A_108 = tpu.memref_squeeze %dma_wait3A_107 : memref<1x1x1x112x224xf32, #tpu.memory_space<hbm>> -> memref<112x224xf32, #tpu.memory_space<hbm>>
    tpu.wait_dma2 semaphore(%arg9 : memref<!tpu.dma_semaphore, #tpu.memory_space<semaphore_mem>>) src(%dma_wait3A_108 : memref<112x224xf32, #tpu.memory_space<hbm>>) dst(%arg5 : memref<112x224xf32, #tpu.memory_space<vmem>>)
    %dma_start3A_109 = arith.constant 0 : i32
    %dma_start3A_110 = arith.constant 112 : i32
    %dma_start3A_111 = arith.constant 0 : i32
    %dma_start3A_112 = tpu.memref_slice %arg3[%select_n3A, %select_n3A_30, %dma_start3A_109, %dma_start3A_110, %dma_start3A_111] : memref<4x8x3x224x224xf32, #tpu.memory_space<hbm>> -> memref<1x1x1x112x224xf32, #tpu.memory_space<hbm>>
    %dma_start3A_113 = tpu.memref_squeeze %dma_start3A_112 : memref<1x1x1x112x224xf32, #tpu.memory_space<hbm>> -> memref<112x224xf32, #tpu.memory_space<hbm>>
    %dma_start3A_114 = arith.constant 112 : i32
    %dma_start3A_115 = arith.constant 0 : i32
    %dma_start3A_116 = tpu.memref_slice %arg3[%select_n3A, %select_n3A_30, %dma_start3A_109, %dma_start3A_114, %dma_start3A_115] : memref<4x8x3x224x224xf32, #tpu.memory_space<hbm>> -> memref<1x1x1x112x224xf32, #tpu.memory_space<hbm>>
    %dma_start3A_117 = tpu.memref_squeeze %dma_start3A_116 : memref<1x1x1x112x224xf32, #tpu.memory_space<hbm>> -> memref<112x224xf32, #tpu.memory_space<hbm>>
    tpu.enqueue_dma source(%arg5 : memref<112x224xf32, #tpu.memory_space<vmem>>) target(%dma_start3A_117 : memref<112x224xf32, #tpu.memory_space<hbm>>) target_semaphore(%arg13 : memref<!tpu.dma_semaphore, #tpu.memory_space<semaphore_mem>>)
    %dma_start3A_118 = arith.constant 1 : i32
    %dma_start3A_119 = arith.constant 112 : i32
    %dma_start3A_120 = arith.constant 0 : i32
    %dma_start3A_121 = tpu.memref_slice %arg2[%select_n3A, %select_n3A_56, %dma_start3A_118, %dma_start3A_119, %dma_start3A_120] : memref<4x32x3x224x224xf32, #tpu.memory_space<hbm>> -> memref<1x1x1x112x224xf32, #tpu.memory_space<hbm>>
    %dma_start3A_122 = tpu.memref_squeeze %dma_start3A_121 : memref<1x1x1x112x224xf32, #tpu.memory_space<hbm>> -> memref<112x224xf32, #tpu.memory_space<hbm>>
    %dma_start3A_123 = arith.constant 112 : i32
    %dma_start3A_124 = arith.constant 0 : i32
    %dma_start3A_125 = tpu.memref_slice %arg2[%select_n3A, %select_n3A_56, %dma_start3A_118, %dma_start3A_123, %dma_start3A_124] : memref<4x32x3x224x224xf32, #tpu.memory_space<hbm>> -> memref<1x1x1x112x224xf32, #tpu.memory_space<hbm>>
    %dma_start3A_126 = tpu.memref_squeeze %dma_start3A_125 : memref<1x1x1x112x224xf32, #tpu.memory_space<hbm>> -> memref<112x224xf32, #tpu.memory_space<hbm>>
    tpu.enqueue_dma source(%dma_start3A_126 : memref<112x224xf32, #tpu.memory_space<hbm>>) target(%arg7 : memref<112x224xf32, #tpu.memory_space<vmem>>) target_semaphore(%arg11 : memref<!tpu.dma_semaphore, #tpu.memory_space<semaphore_mem>>)
    %dma_wait3A_127 = arith.constant 1 : i32
    %dma_wait3A_128 = arith.constant 0 : i32
    %dma_wait3A_129 = arith.constant 0 : i32
    %dma_wait3A_130 = tpu.memref_slice %arg2[%select_n3A, %select_n3A_56, %dma_wait3A_127, %dma_wait3A_128, %dma_wait3A_129] : memref<4x32x3x224x224xf32, #tpu.memory_space<hbm>> -> memref<1x1x1x112x224xf32, #tpu.memory_space<hbm>>
    %dma_wait3A_131 = tpu.memref_squeeze %dma_wait3A_130 : memref<1x1x1x112x224xf32, #tpu.memory_space<hbm>> -> memref<112x224xf32, #tpu.memory_space<hbm>>
    %dma_wait3A_132 = arith.constant 0 : i32
    %dma_wait3A_133 = arith.constant 0 : i32
    %dma_wait3A_134 = tpu.memref_slice %arg2[%select_n3A, %select_n3A_56, %dma_wait3A_127, %dma_wait3A_132, %dma_wait3A_133] : memref<4x32x3x224x224xf32, #tpu.memory_space<hbm>> -> memref<1x1x1x112x224xf32, #tpu.memory_space<hbm>>
    %dma_wait3A_135 = tpu.memref_squeeze %dma_wait3A_134 : memref<1x1x1x112x224xf32, #tpu.memory_space<hbm>> -> memref<112x224xf32, #tpu.memory_space<hbm>>
    tpu.wait_dma2 semaphore(%arg10 : memref<!tpu.dma_semaphore, #tpu.memory_space<semaphore_mem>>) src(%dma_wait3A_135 : memref<112x224xf32, #tpu.memory_space<hbm>>) dst(%arg6 : memref<112x224xf32, #tpu.memory_space<vmem>>)
    %dma_start3A_136 = arith.constant 1 : i32
    %dma_start3A_137 = arith.constant 0 : i32
    %dma_start3A_138 = arith.constant 0 : i32
    %dma_start3A_139 = tpu.memref_slice %arg3[%select_n3A, %select_n3A_30, %dma_start3A_136, %dma_start3A_137, %dma_start3A_138] : memref<4x8x3x224x224xf32, #tpu.memory_space<hbm>> -> memref<1x1x1x112x224xf32, #tpu.memory_space<hbm>>
    %dma_start3A_140 = tpu.memref_squeeze %dma_start3A_139 : memref<1x1x1x112x224xf32, #tpu.memory_space<hbm>> -> memref<112x224xf32, #tpu.memory_space<hbm>>
    %dma_start3A_141 = arith.constant 0 : i32
    %dma_start3A_142 = arith.constant 0 : i32
    %dma_start3A_143 = tpu.memref_slice %arg3[%select_n3A, %select_n3A_30, %dma_start3A_136, %dma_start3A_141, %dma_start3A_142] : memref<4x8x3x224x224xf32, #tpu.memory_space<hbm>> -> memref<1x1x1x112x224xf32, #tpu.memory_space<hbm>>
    %dma_start3A_144 = tpu.memref_squeeze %dma_start3A_143 : memref<1x1x1x112x224xf32, #tpu.memory_space<hbm>> -> memref<112x224xf32, #tpu.memory_space<hbm>>
    tpu.enqueue_dma source(%arg6 : memref<112x224xf32, #tpu.memory_space<vmem>>) target(%dma_start3A_144 : memref<112x224xf32, #tpu.memory_space<hbm>>) target_semaphore(%arg14 : memref<!tpu.dma_semaphore, #tpu.memory_space<semaphore_mem>>)
    %dma_wait3A_145 = arith.constant 0 : i32
    %dma_wait3A_146 = arith.constant 0 : i32
    %dma_wait3A_147 = arith.constant 0 : i32
    %dma_wait3A_148 = tpu.memref_slice %arg3[%select_n3A, %select_n3A_30, %dma_wait3A_145, %dma_wait3A_146, %dma_wait3A_147] : memref<4x8x3x224x224xf32, #tpu.memory_space<hbm>> -> memref<1x1x1x112x224xf32, #tpu.memory_space<hbm>>
    %dma_wait3A_149 = tpu.memref_squeeze %dma_wait3A_148 : memref<1x1x1x112x224xf32, #tpu.memory_space<hbm>> -> memref<112x224xf32, #tpu.memory_space<hbm>>
    %dma_wait3A_150 = arith.constant 0 : i32
    %dma_wait3A_151 = arith.constant 0 : i32
    %dma_wait3A_152 = tpu.memref_slice %arg3[%select_n3A, %select_n3A_30, %dma_wait3A_145, %dma_wait3A_150, %dma_wait3A_151] : memref<4x8x3x224x224xf32, #tpu.memory_space<hbm>> -> memref<1x1x1x112x224xf32, #tpu.memory_space<hbm>>
    %dma_wait3A_153 = tpu.memref_squeeze %dma_wait3A_152 : memref<1x1x1x112x224xf32, #tpu.memory_space<hbm>> -> memref<112x224xf32, #tpu.memory_space<hbm>>
    tpu.wait_dma2 semaphore(%arg12 : memref<!tpu.dma_semaphore, #tpu.memory_space<semaphore_mem>>) src(%arg4 : memref<112x224xf32, #tpu.memory_space<vmem>>) dst(%dma_wait3A_153 : memref<112x224xf32, #tpu.memory_space<hbm>>)
    %dma_start3A_154 = arith.constant 2 : i32
    %dma_start3A_155 = arith.constant 0 : i32
    %dma_start3A_156 = arith.constant 0 : i32
    %dma_start3A_157 = tpu.memref_slice %arg2[%select_n3A, %select_n3A_56, %dma_start3A_154, %dma_start3A_155, %dma_start3A_156] : memref<4x32x3x224x224xf32, #tpu.memory_space<hbm>> -> memref<1x1x1x112x224xf32, #tpu.memory_space<hbm>>
    %dma_start3A_158 = tpu.memref_squeeze %dma_start3A_157 : memref<1x1x1x112x224xf32, #tpu.memory_space<hbm>> -> memref<112x224xf32, #tpu.memory_space<hbm>>
    %dma_start3A_159 = arith.constant 0 : i32
    %dma_start3A_160 = arith.constant 0 : i32
    %dma_start3A_161 = tpu.memref_slice %arg2[%select_n3A, %select_n3A_56, %dma_start3A_154, %dma_start3A_159, %dma_start3A_160] : memref<4x32x3x224x224xf32, #tpu.memory_space<hbm>> -> memref<1x1x1x112x224xf32, #tpu.memory_space<hbm>>
    %dma_start3A_162 = tpu.memref_squeeze %dma_start3A_161 : memref<1x1x1x112x224xf32, #tpu.memory_space<hbm>> -> memref<112x224xf32, #tpu.memory_space<hbm>>
    tpu.enqueue_dma source(%dma_start3A_162 : memref<112x224xf32, #tpu.memory_space<hbm>>) target(%arg4 : memref<112x224xf32, #tpu.memory_space<vmem>>) target_semaphore(%arg8 : memref<!tpu.dma_semaphore, #tpu.memory_space<semaphore_mem>>)
    %dma_wait3A_163 = arith.constant 1 : i32
    %dma_wait3A_164 = arith.constant 112 : i32
    %dma_wait3A_165 = arith.constant 0 : i32
    %dma_wait3A_166 = tpu.memref_slice %arg2[%select_n3A, %select_n3A_56, %dma_wait3A_163, %dma_wait3A_164, %dma_wait3A_165] : memref<4x32x3x224x224xf32, #tpu.memory_space<hbm>> -> memref<1x1x1x112x224xf32, #tpu.memory_space<hbm>>
    %dma_wait3A_167 = tpu.memref_squeeze %dma_wait3A_166 : memref<1x1x1x112x224xf32, #tpu.memory_space<hbm>> -> memref<112x224xf32, #tpu.memory_space<hbm>>
    %dma_wait3A_168 = arith.constant 112 : i32
    %dma_wait3A_169 = arith.constant 0 : i32
    %dma_wait3A_170 = tpu.memref_slice %arg2[%select_n3A, %select_n3A_56, %dma_wait3A_163, %dma_wait3A_168, %dma_wait3A_169] : memref<4x32x3x224x224xf32, #tpu.memory_space<hbm>> -> memref<1x1x1x112x224xf32, #tpu.memory_space<hbm>>
    %dma_wait3A_171 = tpu.memref_squeeze %dma_wait3A_170 : memref<1x1x1x112x224xf32, #tpu.memory_space<hbm>> -> memref<112x224xf32, #tpu.memory_space<hbm>>
    tpu.wait_dma2 semaphore(%arg11 : memref<!tpu.dma_semaphore, #tpu.memory_space<semaphore_mem>>) src(%dma_wait3A_171 : memref<112x224xf32, #tpu.memory_space<hbm>>) dst(%arg7 : memref<112x224xf32, #tpu.memory_space<vmem>>)
    %dma_start3A_172 = arith.constant 1 : i32
    %dma_start3A_173 = arith.constant 112 : i32
    %dma_start3A_174 = arith.constant 0 : i32
    %dma_start3A_175 = tpu.memref_slice %arg3[%select_n3A, %select_n3A_30, %dma_start3A_172, %dma_start3A_173, %dma_start3A_174] : memref<4x8x3x224x224xf32, #tpu.memory_space<hbm>> -> memref<1x1x1x112x224xf32, #tpu.memory_space<hbm>>
    %dma_start3A_176 = tpu.memref_squeeze %dma_start3A_175 : memref<1x1x1x112x224xf32, #tpu.memory_space<hbm>> -> memref<112x224xf32, #tpu.memory_space<hbm>>
    %dma_start3A_177 = arith.constant 112 : i32
    %dma_start3A_178 = arith.constant 0 : i32
    %dma_start3A_179 = tpu.memref_slice %arg3[%select_n3A, %select_n3A_30, %dma_start3A_172, %dma_start3A_177, %dma_start3A_178] : memref<4x8x3x224x224xf32, #tpu.memory_space<hbm>> -> memref<1x1x1x112x224xf32, #tpu.memory_space<hbm>>
    %dma_start3A_180 = tpu.memref_squeeze %dma_start3A_179 : memref<1x1x1x112x224xf32, #tpu.memory_space<hbm>> -> memref<112x224xf32, #tpu.memory_space<hbm>>
    tpu.enqueue_dma source(%arg7 : memref<112x224xf32, #tpu.memory_space<vmem>>) target(%dma_start3A_180 : memref<112x224xf32, #tpu.memory_space<hbm>>) target_semaphore(%arg15 : memref<!tpu.dma_semaphore, #tpu.memory_space<semaphore_mem>>)
    %dma_wait3A_181 = arith.constant 0 : i32
    %dma_wait3A_182 = arith.constant 112 : i32
    %dma_wait3A_183 = arith.constant 0 : i32
    %dma_wait3A_184 = tpu.memref_slice %arg3[%select_n3A, %select_n3A_30, %dma_wait3A_181, %dma_wait3A_182, %dma_wait3A_183] : memref<4x8x3x224x224xf32, #tpu.memory_space<hbm>> -> memref<1x1x1x112x224xf32, #tpu.memory_space<hbm>>
    %dma_wait3A_185 = tpu.memref_squeeze %dma_wait3A_184 : memref<1x1x1x112x224xf32, #tpu.memory_space<hbm>> -> memref<112x224xf32, #tpu.memory_space<hbm>>
    %dma_wait3A_186 = arith.constant 112 : i32
    %dma_wait3A_187 = arith.constant 0 : i32
    %dma_wait3A_188 = tpu.memref_slice %arg3[%select_n3A, %select_n3A_30, %dma_wait3A_181, %dma_wait3A_186, %dma_wait3A_187] : memref<4x8x3x224x224xf32, #tpu.memory_space<hbm>> -> memref<1x1x1x112x224xf32, #tpu.memory_space<hbm>>
    %dma_wait3A_189 = tpu.memref_squeeze %dma_wait3A_188 : memref<1x1x1x112x224xf32, #tpu.memory_space<hbm>> -> memref<112x224xf32, #tpu.memory_space<hbm>>
    tpu.wait_dma2 semaphore(%arg13 : memref<!tpu.dma_semaphore, #tpu.memory_space<semaphore_mem>>) src(%arg5 : memref<112x224xf32, #tpu.memory_space<vmem>>) dst(%dma_wait3A_189 : memref<112x224xf32, #tpu.memory_space<hbm>>)
    %dma_start3A_190 = arith.constant 2 : i32
    %dma_start3A_191 = arith.constant 112 : i32
    %dma_start3A_192 = arith.constant 0 : i32
    %dma_start3A_193 = tpu.memref_slice %arg2[%select_n3A, %select_n3A_56, %dma_start3A_190, %dma_start3A_191, %dma_start3A_192] : memref<4x32x3x224x224xf32, #tpu.memory_space<hbm>> -> memref<1x1x1x112x224xf32, #tpu.memory_space<hbm>>
    %dma_start3A_194 = tpu.memref_squeeze %dma_start3A_193 : memref<1x1x1x112x224xf32, #tpu.memory_space<hbm>> -> memref<112x224xf32, #tpu.memory_space<hbm>>
    %dma_start3A_195 = arith.constant 112 : i32
    %dma_start3A_196 = arith.constant 0 : i32
    %dma_start3A_197 = tpu.memref_slice %arg2[%select_n3A, %select_n3A_56, %dma_start3A_190, %dma_start3A_195, %dma_start3A_196] : memref<4x32x3x224x224xf32, #tpu.memory_space<hbm>> -> memref<1x1x1x112x224xf32, #tpu.memory_space<hbm>>
    %dma_start3A_198 = tpu.memref_squeeze %dma_start3A_197 : memref<1x1x1x112x224xf32, #tpu.memory_space<hbm>> -> memref<112x224xf32, #tpu.memory_space<hbm>>
    tpu.enqueue_dma source(%dma_start3A_198 : memref<112x224xf32, #tpu.memory_space<hbm>>) target(%arg5 : memref<112x224xf32, #tpu.memory_space<vmem>>) target_semaphore(%arg9 : memref<!tpu.dma_semaphore, #tpu.memory_space<semaphore_mem>>)
    %dma_wait3A_199 = arith.constant 2 : i32
    %dma_wait3A_200 = arith.constant 0 : i32
    %dma_wait3A_201 = arith.constant 0 : i32
    %dma_wait3A_202 = tpu.memref_slice %arg2[%select_n3A, %select_n3A_56, %dma_wait3A_199, %dma_wait3A_200, %dma_wait3A_201] : memref<4x32x3x224x224xf32, #tpu.memory_space<hbm>> -> memref<1x1x1x112x224xf32, #tpu.memory_space<hbm>>
    %dma_wait3A_203 = tpu.memref_squeeze %dma_wait3A_202 : memref<1x1x1x112x224xf32, #tpu.memory_space<hbm>> -> memref<112x224xf32, #tpu.memory_space<hbm>>
    %dma_wait3A_204 = arith.constant 0 : i32
    %dma_wait3A_205 = arith.constant 0 : i32
    %dma_wait3A_206 = tpu.memref_slice %arg2[%select_n3A, %select_n3A_56, %dma_wait3A_199, %dma_wait3A_204, %dma_wait3A_205] : memref<4x32x3x224x224xf32, #tpu.memory_space<hbm>> -> memref<1x1x1x112x224xf32, #tpu.memory_space<hbm>>
    %dma_wait3A_207 = tpu.memref_squeeze %dma_wait3A_206 : memref<1x1x1x112x224xf32, #tpu.memory_space<hbm>> -> memref<112x224xf32, #tpu.memory_space<hbm>>
    tpu.wait_dma2 semaphore(%arg8 : memref<!tpu.dma_semaphore, #tpu.memory_space<semaphore_mem>>) src(%dma_wait3A_207 : memref<112x224xf32, #tpu.memory_space<hbm>>) dst(%arg4 : memref<112x224xf32, #tpu.memory_space<vmem>>)
    %dma_start3A_208 = arith.constant 2 : i32
    %dma_start3A_209 = arith.constant 0 : i32
    %dma_start3A_210 = arith.constant 0 : i32
    %dma_start3A_211 = tpu.memref_slice %arg3[%select_n3A, %select_n3A_30, %dma_start3A_208, %dma_start3A_209, %dma_start3A_210] : memref<4x8x3x224x224xf32, #tpu.memory_space<hbm>> -> memref<1x1x1x112x224xf32, #tpu.memory_space<hbm>>
    %dma_start3A_212 = tpu.memref_squeeze %dma_start3A_211 : memref<1x1x1x112x224xf32, #tpu.memory_space<hbm>> -> memref<112x224xf32, #tpu.memory_space<hbm>>
    %dma_start3A_213 = arith.constant 0 : i32
    %dma_start3A_214 = arith.constant 0 : i32
    %dma_start3A_215 = tpu.memref_slice %arg3[%select_n3A, %select_n3A_30, %dma_start3A_208, %dma_start3A_213, %dma_start3A_214] : memref<4x8x3x224x224xf32, #tpu.memory_space<hbm>> -> memref<1x1x1x112x224xf32, #tpu.memory_space<hbm>>
    %dma_start3A_216 = tpu.memref_squeeze %dma_start3A_215 : memref<1x1x1x112x224xf32, #tpu.memory_space<hbm>> -> memref<112x224xf32, #tpu.memory_space<hbm>>
    tpu.enqueue_dma source(%arg4 : memref<112x224xf32, #tpu.memory_space<vmem>>) target(%dma_start3A_216 : memref<112x224xf32, #tpu.memory_space<hbm>>) target_semaphore(%arg12 : memref<!tpu.dma_semaphore, #tpu.memory_space<semaphore_mem>>)
    %dma_wait3A_217 = arith.constant 2 : i32
    %dma_wait3A_218 = arith.constant 112 : i32
    %dma_wait3A_219 = arith.constant 0 : i32
    %dma_wait3A_220 = tpu.memref_slice %arg2[%select_n3A, %select_n3A_56, %dma_wait3A_217, %dma_wait3A_218, %dma_wait3A_219] : memref<4x32x3x224x224xf32, #tpu.memory_space<hbm>> -> memref<1x1x1x112x224xf32, #tpu.memory_space<hbm>>
    %dma_wait3A_221 = tpu.memref_squeeze %dma_wait3A_220 : memref<1x1x1x112x224xf32, #tpu.memory_space<hbm>> -> memref<112x224xf32, #tpu.memory_space<hbm>>
    %dma_wait3A_222 = arith.constant 112 : i32
    %dma_wait3A_223 = arith.constant 0 : i32
    %dma_wait3A_224 = tpu.memref_slice %arg2[%select_n3A, %select_n3A_56, %dma_wait3A_217, %dma_wait3A_222, %dma_wait3A_223] : memref<4x32x3x224x224xf32, #tpu.memory_space<hbm>> -> memref<1x1x1x112x224xf32, #tpu.memory_space<hbm>>
    %dma_wait3A_225 = tpu.memref_squeeze %dma_wait3A_224 : memref<1x1x1x112x224xf32, #tpu.memory_space<hbm>> -> memref<112x224xf32, #tpu.memory_space<hbm>>
    tpu.wait_dma2 semaphore(%arg9 : memref<!tpu.dma_semaphore, #tpu.memory_space<semaphore_mem>>) src(%dma_wait3A_225 : memref<112x224xf32, #tpu.memory_space<hbm>>) dst(%arg5 : memref<112x224xf32, #tpu.memory_space<vmem>>)
    %dma_start3A_226 = arith.constant 2 : i32
    %dma_start3A_227 = arith.constant 112 : i32
    %dma_start3A_228 = arith.constant 0 : i32
    %dma_start3A_229 = tpu.memref_slice %arg3[%select_n3A, %select_n3A_30, %dma_start3A_226, %dma_start3A_227, %dma_start3A_228] : memref<4x8x3x224x224xf32, #tpu.memory_space<hbm>> -> memref<1x1x1x112x224xf32, #tpu.memory_space<hbm>>
    %dma_start3A_230 = tpu.memref_squeeze %dma_start3A_229 : memref<1x1x1x112x224xf32, #tpu.memory_space<hbm>> -> memref<112x224xf32, #tpu.memory_space<hbm>>
    %dma_start3A_231 = arith.constant 112 : i32
    %dma_start3A_232 = arith.constant 0 : i32
    %dma_start3A_233 = tpu.memref_slice %arg3[%select_n3A, %select_n3A_30, %dma_start3A_226, %dma_start3A_231, %dma_start3A_232] : memref<4x8x3x224x224xf32, #tpu.memory_space<hbm>> -> memref<1x1x1x112x224xf32, #tpu.memory_space<hbm>>
    %dma_start3A_234 = tpu.memref_squeeze %dma_start3A_233 : memref<1x1x1x112x224xf32, #tpu.memory_space<hbm>> -> memref<112x224xf32, #tpu.memory_space<hbm>>
    tpu.enqueue_dma source(%arg5 : memref<112x224xf32, #tpu.memory_space<vmem>>) target(%dma_start3A_234 : memref<112x224xf32, #tpu.memory_space<hbm>>) target_semaphore(%arg13 : memref<!tpu.dma_semaphore, #tpu.memory_space<semaphore_mem>>)
    %dma_wait3A_235 = arith.constant 1 : i32
    %dma_wait3A_236 = arith.constant 0 : i32
    %dma_wait3A_237 = arith.constant 0 : i32
    %dma_wait3A_238 = tpu.memref_slice %arg3[%select_n3A, %select_n3A_30, %dma_wait3A_235, %dma_wait3A_236, %dma_wait3A_237] : memref<4x8x3x224x224xf32, #tpu.memory_space<hbm>> -> memref<1x1x1x112x224xf32, #tpu.memory_space<hbm>>
    %dma_wait3A_239 = tpu.memref_squeeze %dma_wait3A_238 : memref<1x1x1x112x224xf32, #tpu.memory_space<hbm>> -> memref<112x224xf32, #tpu.memory_space<hbm>>
    %dma_wait3A_240 = arith.constant 0 : i32
    %dma_wait3A_241 = arith.constant 0 : i32
    %dma_wait3A_242 = tpu.memref_slice %arg3[%select_n3A, %select_n3A_30, %dma_wait3A_235, %dma_wait3A_240, %dma_wait3A_241] : memref<4x8x3x224x224xf32, #tpu.memory_space<hbm>> -> memref<1x1x1x112x224xf32, #tpu.memory_space<hbm>>
    %dma_wait3A_243 = tpu.memref_squeeze %dma_wait3A_242 : memref<1x1x1x112x224xf32, #tpu.memory_space<hbm>> -> memref<112x224xf32, #tpu.memory_space<hbm>>
    tpu.wait_dma2 semaphore(%arg14 : memref<!tpu.dma_semaphore, #tpu.memory_space<semaphore_mem>>) src(%arg6 : memref<112x224xf32, #tpu.memory_space<vmem>>) dst(%dma_wait3A_243 : memref<112x224xf32, #tpu.memory_space<hbm>>)
    %dma_wait3A_244 = arith.constant 1 : i32
    %dma_wait3A_245 = arith.constant 112 : i32
    %dma_wait3A_246 = arith.constant 0 : i32
    %dma_wait3A_247 = tpu.memref_slice %arg3[%select_n3A, %select_n3A_30, %dma_wait3A_244, %dma_wait3A_245, %dma_wait3A_246] : memref<4x8x3x224x224xf32, #tpu.memory_space<hbm>> -> memref<1x1x1x112x224xf32, #tpu.memory_space<hbm>>
    %dma_wait3A_248 = tpu.memref_squeeze %dma_wait3A_247 : memref<1x1x1x112x224xf32, #tpu.memory_space<hbm>> -> memref<112x224xf32, #tpu.memory_space<hbm>>
    %dma_wait3A_249 = arith.constant 112 : i32
    %dma_wait3A_250 = arith.constant 0 : i32
    %dma_wait3A_251 = tpu.memref_slice %arg3[%select_n3A, %select_n3A_30, %dma_wait3A_244, %dma_wait3A_249, %dma_wait3A_250] : memref<4x8x3x224x224xf32, #tpu.memory_space<hbm>> -> memref<1x1x1x112x224xf32, #tpu.memory_space<hbm>>
    %dma_wait3A_252 = tpu.memref_squeeze %dma_wait3A_251 : memref<1x1x1x112x224xf32, #tpu.memory_space<hbm>> -> memref<112x224xf32, #tpu.memory_space<hbm>>
    tpu.wait_dma2 semaphore(%arg15 : memref<!tpu.dma_semaphore, #tpu.memory_space<semaphore_mem>>) src(%arg7 : memref<112x224xf32, #tpu.memory_space<vmem>>) dst(%dma_wait3A_252 : memref<112x224xf32, #tpu.memory_space<hbm>>)
    %dma_wait3A_253 = arith.constant 2 : i32
    %dma_wait3A_254 = arith.constant 0 : i32
    %dma_wait3A_255 = arith.constant 0 : i32
    %dma_wait3A_256 = tpu.memref_slice %arg3[%select_n3A, %select_n3A_30, %dma_wait3A_253, %dma_wait3A_254, %dma_wait3A_255] : memref<4x8x3x224x224xf32, #tpu.memory_space<hbm>> -> memref<1x1x1x112x224xf32, #tpu.memory_space<hbm>>
    %dma_wait3A_257 = tpu.memref_squeeze %dma_wait3A_256 : memref<1x1x1x112x224xf32, #tpu.memory_space<hbm>> -> memref<112x224xf32, #tpu.memory_space<hbm>>
    %dma_wait3A_258 = arith.constant 0 : i32
    %dma_wait3A_259 = arith.constant 0 : i32
    %dma_wait3A_260 = tpu.memref_slice %arg3[%select_n3A, %select_n3A_30, %dma_wait3A_253, %dma_wait3A_258, %dma_wait3A_259] : memref<4x8x3x224x224xf32, #tpu.memory_space<hbm>> -> memref<1x1x1x112x224xf32, #tpu.memory_space<hbm>>
    %dma_wait3A_261 = tpu.memref_squeeze %dma_wait3A_260 : memref<1x1x1x112x224xf32, #tpu.memory_space<hbm>> -> memref<112x224xf32, #tpu.memory_space<hbm>>
    tpu.wait_dma2 semaphore(%arg12 : memref<!tpu.dma_semaphore, #tpu.memory_space<semaphore_mem>>) src(%arg4 : memref<112x224xf32, #tpu.memory_space<vmem>>) dst(%dma_wait3A_261 : memref<112x224xf32, #tpu.memory_space<hbm>>)
    %dma_wait3A_262 = arith.constant 2 : i32
    %dma_wait3A_263 = arith.constant 112 : i32
    %dma_wait3A_264 = arith.constant 0 : i32
    %dma_wait3A_265 = tpu.memref_slice %arg3[%select_n3A, %select_n3A_30, %dma_wait3A_262, %dma_wait3A_263, %dma_wait3A_264] : memref<4x8x3x224x224xf32, #tpu.memory_space<hbm>> -> memref<1x1x1x112x224xf32, #tpu.memory_space<hbm>>
    %dma_wait3A_266 = tpu.memref_squeeze %dma_wait3A_265 : memref<1x1x1x112x224xf32, #tpu.memory_space<hbm>> -> memref<112x224xf32, #tpu.memory_space<hbm>>
    %dma_wait3A_267 = arith.constant 112 : i32
    %dma_wait3A_268 = arith.constant 0 : i32
    %dma_wait3A_269 = tpu.memref_slice %arg3[%select_n3A, %select_n3A_30, %dma_wait3A_262, %dma_wait3A_267, %dma_wait3A_268] : memref<4x8x3x224x224xf32, #tpu.memory_space<hbm>> -> memref<1x1x1x112x224xf32, #tpu.memory_space<hbm>>
    %dma_wait3A_270 = tpu.memref_squeeze %dma_wait3A_269 : memref<1x1x1x112x224xf32, #tpu.memory_space<hbm>> -> memref<112x224xf32, #tpu.memory_space<hbm>>
    tpu.wait_dma2 semaphore(%arg13 : memref<!tpu.dma_semaphore, #tpu.memory_space<semaphore_mem>>) src(%arg5 : memref<112x224xf32, #tpu.memory_space<vmem>>) dst(%dma_wait3A_270 : memref<112x224xf32, #tpu.memory_space<hbm>>)
    return
  }
}

module attributes {stable_mosaic.version = 14 : i64} {
  func.func @_tc_copy_body(%arg0: memref<4x32x3x224x224xf32, #tpu.memory_space<hbm>>, %arg1: memref<4x32x3x224x224xf32, #tpu.memory_space<hbm>>, %arg2: memref<8x3x224x224xf32, #tpu.memory_space<vmem>>, %arg3: memref<8x3x224x224xf32, #tpu.memory_space<vmem>>, %arg4: memref<8x3x224x224xf32, #tpu.memory_space<vmem>>, %arg5: memref<8x3x224x224xf32, #tpu.memory_space<vmem>>, %arg6: memref<8x3x224x224xf32, #tpu.memory_space<vmem>>, %arg7: memref<8x3x224x224xf32, #tpu.memory_space<vmem>>, %arg8: memref<!tpu.dma_semaphore, #tpu.memory_space<semaphore_mem>>, %arg9: memref<!tpu.dma_semaphore, #tpu.memory_space<semaphore_mem>>, %arg10: memref<!tpu.dma_semaphore, #tpu.memory_space<semaphore_mem>>, %arg11: memref<!tpu.dma_semaphore, #tpu.memory_space<semaphore_mem>>, %arg12: memref<!tpu.dma_semaphore, #tpu.memory_space<semaphore_mem>>, %arg13: memref<!tpu.dma_semaphore, #tpu.memory_space<semaphore_mem>>, %arg14: memref<!tpu.dma_semaphore, #tpu.memory_space<semaphore_mem>>, %arg15: memref<!tpu.dma_semaphore, #tpu.memory_space<semaphore_mem>>, %arg16: memref<!tpu.dma_semaphore, #tpu.memory_space<semaphore_mem>>, %arg17: memref<!tpu.dma_semaphore, #tpu.memory_space<semaphore_mem>>, %arg18: memref<!tpu.dma_semaphore, #tpu.memory_space<semaphore_mem>>, %arg19: memref<!tpu.dma_semaphore, #tpu.memory_space<semaphore_mem>>) attributes {dimension_semantics = [], scalar_prefetch = 0 : i64, scratch_operands = 18 : i64, tpu.core_type = #tpu.core_type<tc>} {
    %dma_start3A = arith.constant 0 : i32
    %dma_start3A_0 = arith.constant 0 : i32
    %dma_start3A_1 = arith.constant 0 : i32
    %dma_start3A_2 = arith.constant 0 : i32
    %dma_start3A_3 = arith.constant 0 : i32
    %dma_start3A_4 = tpu.memref_slice %arg0[%dma_start3A, %dma_start3A_0, %dma_start3A_1, %dma_start3A_2, %dma_start3A_3] : memref<4x32x3x224x224xf32, #tpu.memory_space<hbm>> -> memref<1x8x3x224x224xf32, #tpu.memory_space<hbm>>
    %dma_start3A_5 = tpu.memref_squeeze %dma_start3A_4 : memref<1x8x3x224x224xf32, #tpu.memory_space<hbm>> -> memref<8x3x224x224xf32, #tpu.memory_space<hbm>>
    tpu.enqueue_dma source(%dma_start3A_5 : memref<8x3x224x224xf32, #tpu.memory_space<hbm>>) target(%arg2 : memref<8x3x224x224xf32, #tpu.memory_space<vmem>>) target_semaphore(%arg8 : memref<!tpu.dma_semaphore, #tpu.memory_space<semaphore_mem>>)
    %dma_start3A_6 = arith.constant 0 : i32
    %dma_start3A_7 = arith.constant 8 : i32
    %dma_start3A_8 = arith.constant 0 : i32
    %dma_start3A_9 = arith.constant 0 : i32
    %dma_start3A_10 = arith.constant 0 : i32
    %dma_start3A_11 = tpu.memref_slice %arg0[%dma_start3A_6, %dma_start3A_7, %dma_start3A_8, %dma_start3A_9, %dma_start3A_10] : memref<4x32x3x224x224xf32, #tpu.memory_space<hbm>> -> memref<1x8x3x224x224xf32, #tpu.memory_space<hbm>>
    %dma_start3A_12 = tpu.memref_squeeze %dma_start3A_11 : memref<1x8x3x224x224xf32, #tpu.memory_space<hbm>> -> memref<8x3x224x224xf32, #tpu.memory_space<hbm>>
    tpu.enqueue_dma source(%dma_start3A_12 : memref<8x3x224x224xf32, #tpu.memory_space<hbm>>) target(%arg3 : memref<8x3x224x224xf32, #tpu.memory_space<vmem>>) target_semaphore(%arg9 : memref<!tpu.dma_semaphore, #tpu.memory_space<semaphore_mem>>)
    %dma_start3A_13 = arith.constant 0 : i32
    %dma_start3A_14 = arith.constant 16 : i32
    %dma_start3A_15 = arith.constant 0 : i32
    %dma_start3A_16 = arith.constant 0 : i32
    %dma_start3A_17 = arith.constant 0 : i32
    %dma_start3A_18 = tpu.memref_slice %arg0[%dma_start3A_13, %dma_start3A_14, %dma_start3A_15, %dma_start3A_16, %dma_start3A_17] : memref<4x32x3x224x224xf32, #tpu.memory_space<hbm>> -> memref<1x8x3x224x224xf32, #tpu.memory_space<hbm>>
    %dma_start3A_19 = tpu.memref_squeeze %dma_start3A_18 : memref<1x8x3x224x224xf32, #tpu.memory_space<hbm>> -> memref<8x3x224x224xf32, #tpu.memory_space<hbm>>
    tpu.enqueue_dma source(%dma_start3A_19 : memref<8x3x224x224xf32, #tpu.memory_space<hbm>>) target(%arg4 : memref<8x3x224x224xf32, #tpu.memory_space<vmem>>) target_semaphore(%arg10 : memref<!tpu.dma_semaphore, #tpu.memory_space<semaphore_mem>>)
    %dma_wait3A = arith.constant 0 : i32
    %dma_wait3A_20 = arith.constant 0 : i32
    %dma_wait3A_21 = arith.constant 0 : i32
    %dma_wait3A_22 = arith.constant 0 : i32
    %dma_wait3A_23 = arith.constant 0 : i32
    %dma_wait3A_24 = tpu.memref_slice %arg0[%dma_wait3A, %dma_wait3A_20, %dma_wait3A_21, %dma_wait3A_22, %dma_wait3A_23] : memref<4x32x3x224x224xf32, #tpu.memory_space<hbm>> -> memref<1x8x3x224x224xf32, #tpu.memory_space<hbm>>
    %dma_wait3A_25 = tpu.memref_squeeze %dma_wait3A_24 : memref<1x8x3x224x224xf32, #tpu.memory_space<hbm>> -> memref<8x3x224x224xf32, #tpu.memory_space<hbm>>
    tpu.wait_dma2 semaphore(%arg8 : memref<!tpu.dma_semaphore, #tpu.memory_space<semaphore_mem>>) src(%dma_wait3A_25 : memref<8x3x224x224xf32, #tpu.memory_space<hbm>>) dst(%arg2 : memref<8x3x224x224xf32, #tpu.memory_space<vmem>>)
    %dma_start3A_26 = arith.constant 0 : i32
    %dma_start3A_27 = arith.constant 0 : i32
    %dma_start3A_28 = arith.constant 0 : i32
    %dma_start3A_29 = arith.constant 0 : i32
    %dma_start3A_30 = arith.constant 0 : i32
    %dma_start3A_31 = tpu.memref_slice %arg1[%dma_start3A_26, %dma_start3A_27, %dma_start3A_28, %dma_start3A_29, %dma_start3A_30] : memref<4x32x3x224x224xf32, #tpu.memory_space<hbm>> -> memref<1x8x3x224x224xf32, #tpu.memory_space<hbm>>
    %dma_start3A_32 = tpu.memref_squeeze %dma_start3A_31 : memref<1x8x3x224x224xf32, #tpu.memory_space<hbm>> -> memref<8x3x224x224xf32, #tpu.memory_space<hbm>>
    tpu.enqueue_dma source(%arg2 : memref<8x3x224x224xf32, #tpu.memory_space<vmem>>) target(%dma_start3A_32 : memref<8x3x224x224xf32, #tpu.memory_space<hbm>>) target_semaphore(%arg14 : memref<!tpu.dma_semaphore, #tpu.memory_space<semaphore_mem>>)
    %dma_start3A_33 = arith.constant 0 : i32
    %dma_start3A_34 = arith.constant 24 : i32
    %dma_start3A_35 = arith.constant 0 : i32
    %dma_start3A_36 = arith.constant 0 : i32
    %dma_start3A_37 = arith.constant 0 : i32
    %dma_start3A_38 = tpu.memref_slice %arg0[%dma_start3A_33, %dma_start3A_34, %dma_start3A_35, %dma_start3A_36, %dma_start3A_37] : memref<4x32x3x224x224xf32, #tpu.memory_space<hbm>> -> memref<1x8x3x224x224xf32, #tpu.memory_space<hbm>>
    %dma_start3A_39 = tpu.memref_squeeze %dma_start3A_38 : memref<1x8x3x224x224xf32, #tpu.memory_space<hbm>> -> memref<8x3x224x224xf32, #tpu.memory_space<hbm>>
    tpu.enqueue_dma source(%dma_start3A_39 : memref<8x3x224x224xf32, #tpu.memory_space<hbm>>) target(%arg5 : memref<8x3x224x224xf32, #tpu.memory_space<vmem>>) target_semaphore(%arg11 : memref<!tpu.dma_semaphore, #tpu.memory_space<semaphore_mem>>)
    %dma_wait3A_40 = arith.constant 0 : i32
    %dma_wait3A_41 = arith.constant 8 : i32
    %dma_wait3A_42 = arith.constant 0 : i32
    %dma_wait3A_43 = arith.constant 0 : i32
    %dma_wait3A_44 = arith.constant 0 : i32
    %dma_wait3A_45 = tpu.memref_slice %arg0[%dma_wait3A_40, %dma_wait3A_41, %dma_wait3A_42, %dma_wait3A_43, %dma_wait3A_44] : memref<4x32x3x224x224xf32, #tpu.memory_space<hbm>> -> memref<1x8x3x224x224xf32, #tpu.memory_space<hbm>>
    %dma_wait3A_46 = tpu.memref_squeeze %dma_wait3A_45 : memref<1x8x3x224x224xf32, #tpu.memory_space<hbm>> -> memref<8x3x224x224xf32, #tpu.memory_space<hbm>>
    tpu.wait_dma2 semaphore(%arg9 : memref<!tpu.dma_semaphore, #tpu.memory_space<semaphore_mem>>) src(%dma_wait3A_46 : memref<8x3x224x224xf32, #tpu.memory_space<hbm>>) dst(%arg3 : memref<8x3x224x224xf32, #tpu.memory_space<vmem>>)
    %dma_start3A_47 = arith.constant 0 : i32
    %dma_start3A_48 = arith.constant 8 : i32
    %dma_start3A_49 = arith.constant 0 : i32
    %dma_start3A_50 = arith.constant 0 : i32
    %dma_start3A_51 = arith.constant 0 : i32
    %dma_start3A_52 = tpu.memref_slice %arg1[%dma_start3A_47, %dma_start3A_48, %dma_start3A_49, %dma_start3A_50, %dma_start3A_51] : memref<4x32x3x224x224xf32, #tpu.memory_space<hbm>> -> memref<1x8x3x224x224xf32, #tpu.memory_space<hbm>>
    %dma_start3A_53 = tpu.memref_squeeze %dma_start3A_52 : memref<1x8x3x224x224xf32, #tpu.memory_space<hbm>> -> memref<8x3x224x224xf32, #tpu.memory_space<hbm>>
    tpu.enqueue_dma source(%arg3 : memref<8x3x224x224xf32, #tpu.memory_space<vmem>>) target(%dma_start3A_53 : memref<8x3x224x224xf32, #tpu.memory_space<hbm>>) target_semaphore(%arg15 : memref<!tpu.dma_semaphore, #tpu.memory_space<semaphore_mem>>)
    %dma_start3A_54 = arith.constant 1 : i32
    %dma_start3A_55 = arith.constant 0 : i32
    %dma_start3A_56 = arith.constant 0 : i32
    %dma_start3A_57 = arith.constant 0 : i32
    %dma_start3A_58 = arith.constant 0 : i32
    %dma_start3A_59 = tpu.memref_slice %arg0[%dma_start3A_54, %dma_start3A_55, %dma_start3A_56, %dma_start3A_57, %dma_start3A_58] : memref<4x32x3x224x224xf32, #tpu.memory_space<hbm>> -> memref<1x8x3x224x224xf32, #tpu.memory_space<hbm>>
    %dma_start3A_60 = tpu.memref_squeeze %dma_start3A_59 : memref<1x8x3x224x224xf32, #tpu.memory_space<hbm>> -> memref<8x3x224x224xf32, #tpu.memory_space<hbm>>
    tpu.enqueue_dma source(%dma_start3A_60 : memref<8x3x224x224xf32, #tpu.memory_space<hbm>>) target(%arg6 : memref<8x3x224x224xf32, #tpu.memory_space<vmem>>) target_semaphore(%arg12 : memref<!tpu.dma_semaphore, #tpu.memory_space<semaphore_mem>>)
    %dma_wait3A_61 = arith.constant 0 : i32
    %dma_wait3A_62 = arith.constant 16 : i32
    %dma_wait3A_63 = arith.constant 0 : i32
    %dma_wait3A_64 = arith.constant 0 : i32
    %dma_wait3A_65 = arith.constant 0 : i32
    %dma_wait3A_66 = tpu.memref_slice %arg0[%dma_wait3A_61, %dma_wait3A_62, %dma_wait3A_63, %dma_wait3A_64, %dma_wait3A_65] : memref<4x32x3x224x224xf32, #tpu.memory_space<hbm>> -> memref<1x8x3x224x224xf32, #tpu.memory_space<hbm>>
    %dma_wait3A_67 = tpu.memref_squeeze %dma_wait3A_66 : memref<1x8x3x224x224xf32, #tpu.memory_space<hbm>> -> memref<8x3x224x224xf32, #tpu.memory_space<hbm>>
    tpu.wait_dma2 semaphore(%arg10 : memref<!tpu.dma_semaphore, #tpu.memory_space<semaphore_mem>>) src(%dma_wait3A_67 : memref<8x3x224x224xf32, #tpu.memory_space<hbm>>) dst(%arg4 : memref<8x3x224x224xf32, #tpu.memory_space<vmem>>)
    %dma_start3A_68 = arith.constant 0 : i32
    %dma_start3A_69 = arith.constant 16 : i32
    %dma_start3A_70 = arith.constant 0 : i32
    %dma_start3A_71 = arith.constant 0 : i32
    %dma_start3A_72 = arith.constant 0 : i32
    %dma_start3A_73 = tpu.memref_slice %arg1[%dma_start3A_68, %dma_start3A_69, %dma_start3A_70, %dma_start3A_71, %dma_start3A_72] : memref<4x32x3x224x224xf32, #tpu.memory_space<hbm>> -> memref<1x8x3x224x224xf32, #tpu.memory_space<hbm>>
    %dma_start3A_74 = tpu.memref_squeeze %dma_start3A_73 : memref<1x8x3x224x224xf32, #tpu.memory_space<hbm>> -> memref<8x3x224x224xf32, #tpu.memory_space<hbm>>
    tpu.enqueue_dma source(%arg4 : memref<8x3x224x224xf32, #tpu.memory_space<vmem>>) target(%dma_start3A_74 : memref<8x3x224x224xf32, #tpu.memory_space<hbm>>) target_semaphore(%arg16 : memref<!tpu.dma_semaphore, #tpu.memory_space<semaphore_mem>>)
    %dma_start3A_75 = arith.constant 1 : i32
    %dma_start3A_76 = arith.constant 8 : i32
    %dma_start3A_77 = arith.constant 0 : i32
    %dma_start3A_78 = arith.constant 0 : i32
    %dma_start3A_79 = arith.constant 0 : i32
    %dma_start3A_80 = tpu.memref_slice %arg0[%dma_start3A_75, %dma_start3A_76, %dma_start3A_77, %dma_start3A_78, %dma_start3A_79] : memref<4x32x3x224x224xf32, #tpu.memory_space<hbm>> -> memref<1x8x3x224x224xf32, #tpu.memory_space<hbm>>
    %dma_start3A_81 = tpu.memref_squeeze %dma_start3A_80 : memref<1x8x3x224x224xf32, #tpu.memory_space<hbm>> -> memref<8x3x224x224xf32, #tpu.memory_space<hbm>>
    tpu.enqueue_dma source(%dma_start3A_81 : memref<8x3x224x224xf32, #tpu.memory_space<hbm>>) target(%arg7 : memref<8x3x224x224xf32, #tpu.memory_space<vmem>>) target_semaphore(%arg13 : memref<!tpu.dma_semaphore, #tpu.memory_space<semaphore_mem>>)
    %dma_wait3A_82 = arith.constant 0 : i32
    %dma_wait3A_83 = arith.constant 24 : i32
    %dma_wait3A_84 = arith.constant 0 : i32
    %dma_wait3A_85 = arith.constant 0 : i32
    %dma_wait3A_86 = arith.constant 0 : i32
    %dma_wait3A_87 = tpu.memref_slice %arg0[%dma_wait3A_82, %dma_wait3A_83, %dma_wait3A_84, %dma_wait3A_85, %dma_wait3A_86] : memref<4x32x3x224x224xf32, #tpu.memory_space<hbm>> -> memref<1x8x3x224x224xf32, #tpu.memory_space<hbm>>
    %dma_wait3A_88 = tpu.memref_squeeze %dma_wait3A_87 : memref<1x8x3x224x224xf32, #tpu.memory_space<hbm>> -> memref<8x3x224x224xf32, #tpu.memory_space<hbm>>
    tpu.wait_dma2 semaphore(%arg11 : memref<!tpu.dma_semaphore, #tpu.memory_space<semaphore_mem>>) src(%dma_wait3A_88 : memref<8x3x224x224xf32, #tpu.memory_space<hbm>>) dst(%arg5 : memref<8x3x224x224xf32, #tpu.memory_space<vmem>>)
    %dma_start3A_89 = arith.constant 0 : i32
    %dma_start3A_90 = arith.constant 24 : i32
    %dma_start3A_91 = arith.constant 0 : i32
    %dma_start3A_92 = arith.constant 0 : i32
    %dma_start3A_93 = arith.constant 0 : i32
    %dma_start3A_94 = tpu.memref_slice %arg1[%dma_start3A_89, %dma_start3A_90, %dma_start3A_91, %dma_start3A_92, %dma_start3A_93] : memref<4x32x3x224x224xf32, #tpu.memory_space<hbm>> -> memref<1x8x3x224x224xf32, #tpu.memory_space<hbm>>
    %dma_start3A_95 = tpu.memref_squeeze %dma_start3A_94 : memref<1x8x3x224x224xf32, #tpu.memory_space<hbm>> -> memref<8x3x224x224xf32, #tpu.memory_space<hbm>>
    tpu.enqueue_dma source(%arg5 : memref<8x3x224x224xf32, #tpu.memory_space<vmem>>) target(%dma_start3A_95 : memref<8x3x224x224xf32, #tpu.memory_space<hbm>>) target_semaphore(%arg17 : memref<!tpu.dma_semaphore, #tpu.memory_space<semaphore_mem>>)
    %dma_wait3A_96 = arith.constant 0 : i32
    %dma_wait3A_97 = arith.constant 0 : i32
    %dma_wait3A_98 = arith.constant 0 : i32
    %dma_wait3A_99 = arith.constant 0 : i32
    %dma_wait3A_100 = arith.constant 0 : i32
    %dma_wait3A_101 = tpu.memref_slice %arg1[%dma_wait3A_96, %dma_wait3A_97, %dma_wait3A_98, %dma_wait3A_99, %dma_wait3A_100] : memref<4x32x3x224x224xf32, #tpu.memory_space<hbm>> -> memref<1x8x3x224x224xf32, #tpu.memory_space<hbm>>
    %dma_wait3A_102 = tpu.memref_squeeze %dma_wait3A_101 : memref<1x8x3x224x224xf32, #tpu.memory_space<hbm>> -> memref<8x3x224x224xf32, #tpu.memory_space<hbm>>
    tpu.wait_dma2 semaphore(%arg14 : memref<!tpu.dma_semaphore, #tpu.memory_space<semaphore_mem>>) src(%arg2 : memref<8x3x224x224xf32, #tpu.memory_space<vmem>>) dst(%dma_wait3A_102 : memref<8x3x224x224xf32, #tpu.memory_space<hbm>>)
    %dma_start3A_103 = arith.constant 1 : i32
    %dma_start3A_104 = arith.constant 16 : i32
    %dma_start3A_105 = arith.constant 0 : i32
    %dma_start3A_106 = arith.constant 0 : i32
    %dma_start3A_107 = arith.constant 0 : i32
    %dma_start3A_108 = tpu.memref_slice %arg0[%dma_start3A_103, %dma_start3A_104, %dma_start3A_105, %dma_start3A_106, %dma_start3A_107] : memref<4x32x3x224x224xf32, #tpu.memory_space<hbm>> -> memref<1x8x3x224x224xf32, #tpu.memory_space<hbm>>
    %dma_start3A_109 = tpu.memref_squeeze %dma_start3A_108 : memref<1x8x3x224x224xf32, #tpu.memory_space<hbm>> -> memref<8x3x224x224xf32, #tpu.memory_space<hbm>>
    tpu.enqueue_dma source(%dma_start3A_109 : memref<8x3x224x224xf32, #tpu.memory_space<hbm>>) target(%arg2 : memref<8x3x224x224xf32, #tpu.memory_space<vmem>>) target_semaphore(%arg8 : memref<!tpu.dma_semaphore, #tpu.memory_space<semaphore_mem>>)
    %dma_wait3A_110 = arith.constant 1 : i32
    %dma_wait3A_111 = arith.constant 0 : i32
    %dma_wait3A_112 = arith.constant 0 : i32
    %dma_wait3A_113 = arith.constant 0 : i32
    %dma_wait3A_114 = arith.constant 0 : i32
    %dma_wait3A_115 = tpu.memref_slice %arg0[%dma_wait3A_110, %dma_wait3A_111, %dma_wait3A_112, %dma_wait3A_113, %dma_wait3A_114] : memref<4x32x3x224x224xf32, #tpu.memory_space<hbm>> -> memref<1x8x3x224x224xf32, #tpu.memory_space<hbm>>
    %dma_wait3A_116 = tpu.memref_squeeze %dma_wait3A_115 : memref<1x8x3x224x224xf32, #tpu.memory_space<hbm>> -> memref<8x3x224x224xf32, #tpu.memory_space<hbm>>
    tpu.wait_dma2 semaphore(%arg12 : memref<!tpu.dma_semaphore, #tpu.memory_space<semaphore_mem>>) src(%dma_wait3A_116 : memref<8x3x224x224xf32, #tpu.memory_space<hbm>>) dst(%arg6 : memref<8x3x224x224xf32, #tpu.memory_space<vmem>>)
    %dma_start3A_117 = arith.constant 1 : i32
    %dma_start3A_118 = arith.constant 0 : i32
    %dma_start3A_119 = arith.constant 0 : i32
    %dma_start3A_120 = arith.constant 0 : i32
    %dma_start3A_121 = arith.constant 0 : i32
    %dma_start3A_122 = tpu.memref_slice %arg1[%dma_start3A_117, %dma_start3A_118, %dma_start3A_119, %dma_start3A_120, %dma_start3A_121] : memref<4x32x3x224x224xf32, #tpu.memory_space<hbm>> -> memref<1x8x3x224x224xf32, #tpu.memory_space<hbm>>
    %dma_start3A_123 = tpu.memref_squeeze %dma_start3A_122 : memref<1x8x3x224x224xf32, #tpu.memory_space<hbm>> -> memref<8x3x224x224xf32, #tpu.memory_space<hbm>>
    tpu.enqueue_dma source(%arg6 : memref<8x3x224x224xf32, #tpu.memory_space<vmem>>) target(%dma_start3A_123 : memref<8x3x224x224xf32, #tpu.memory_space<hbm>>) target_semaphore(%arg18 : memref<!tpu.dma_semaphore, #tpu.memory_space<semaphore_mem>>)
    %dma_wait3A_124 = arith.constant 0 : i32
    %dma_wait3A_125 = arith.constant 8 : i32
    %dma_wait3A_126 = arith.constant 0 : i32
    %dma_wait3A_127 = arith.constant 0 : i32
    %dma_wait3A_128 = arith.constant 0 : i32
    %dma_wait3A_129 = tpu.memref_slice %arg1[%dma_wait3A_124, %dma_wait3A_125, %dma_wait3A_126, %dma_wait3A_127, %dma_wait3A_128] : memref<4x32x3x224x224xf32, #tpu.memory_space<hbm>> -> memref<1x8x3x224x224xf32, #tpu.memory_space<hbm>>
    %dma_wait3A_130 = tpu.memref_squeeze %dma_wait3A_129 : memref<1x8x3x224x224xf32, #tpu.memory_space<hbm>> -> memref<8x3x224x224xf32, #tpu.memory_space<hbm>>
    tpu.wait_dma2 semaphore(%arg15 : memref<!tpu.dma_semaphore, #tpu.memory_space<semaphore_mem>>) src(%arg3 : memref<8x3x224x224xf32, #tpu.memory_space<vmem>>) dst(%dma_wait3A_130 : memref<8x3x224x224xf32, #tpu.memory_space<hbm>>)
    %dma_start3A_131 = arith.constant 1 : i32
    %dma_start3A_132 = arith.constant 24 : i32
    %dma_start3A_133 = arith.constant 0 : i32
    %dma_start3A_134 = arith.constant 0 : i32
    %dma_start3A_135 = arith.constant 0 : i32
    %dma_start3A_136 = tpu.memref_slice %arg0[%dma_start3A_131, %dma_start3A_132, %dma_start3A_133, %dma_start3A_134, %dma_start3A_135] : memref<4x32x3x224x224xf32, #tpu.memory_space<hbm>> -> memref<1x8x3x224x224xf32, #tpu.memory_space<hbm>>
    %dma_start3A_137 = tpu.memref_squeeze %dma_start3A_136 : memref<1x8x3x224x224xf32, #tpu.memory_space<hbm>> -> memref<8x3x224x224xf32, #tpu.memory_space<hbm>>
    tpu.enqueue_dma source(%dma_start3A_137 : memref<8x3x224x224xf32, #tpu.memory_space<hbm>>) target(%arg3 : memref<8x3x224x224xf32, #tpu.memory_space<vmem>>) target_semaphore(%arg9 : memref<!tpu.dma_semaphore, #tpu.memory_space<semaphore_mem>>)
    %dma_wait3A_138 = arith.constant 1 : i32
    %dma_wait3A_139 = arith.constant 8 : i32
    %dma_wait3A_140 = arith.constant 0 : i32
    %dma_wait3A_141 = arith.constant 0 : i32
    %dma_wait3A_142 = arith.constant 0 : i32
    %dma_wait3A_143 = tpu.memref_slice %arg0[%dma_wait3A_138, %dma_wait3A_139, %dma_wait3A_140, %dma_wait3A_141, %dma_wait3A_142] : memref<4x32x3x224x224xf32, #tpu.memory_space<hbm>> -> memref<1x8x3x224x224xf32, #tpu.memory_space<hbm>>
    %dma_wait3A_144 = tpu.memref_squeeze %dma_wait3A_143 : memref<1x8x3x224x224xf32, #tpu.memory_space<hbm>> -> memref<8x3x224x224xf32, #tpu.memory_space<hbm>>
    tpu.wait_dma2 semaphore(%arg13 : memref<!tpu.dma_semaphore, #tpu.memory_space<semaphore_mem>>) src(%dma_wait3A_144 : memref<8x3x224x224xf32, #tpu.memory_space<hbm>>) dst(%arg7 : memref<8x3x224x224xf32, #tpu.memory_space<vmem>>)
    %dma_start3A_145 = arith.constant 1 : i32
    %dma_start3A_146 = arith.constant 8 : i32
    %dma_start3A_147 = arith.constant 0 : i32
    %dma_start3A_148 = arith.constant 0 : i32
    %dma_start3A_149 = arith.constant 0 : i32
    %dma_start3A_150 = tpu.memref_slice %arg1[%dma_start3A_145, %dma_start3A_146, %dma_start3A_147, %dma_start3A_148, %dma_start3A_149] : memref<4x32x3x224x224xf32, #tpu.memory_space<hbm>> -> memref<1x8x3x224x224xf32, #tpu.memory_space<hbm>>
    %dma_start3A_151 = tpu.memref_squeeze %dma_start3A_150 : memref<1x8x3x224x224xf32, #tpu.memory_space<hbm>> -> memref<8x3x224x224xf32, #tpu.memory_space<hbm>>
    tpu.enqueue_dma source(%arg7 : memref<8x3x224x224xf32, #tpu.memory_space<vmem>>) target(%dma_start3A_151 : memref<8x3x224x224xf32, #tpu.memory_space<hbm>>) target_semaphore(%arg19 : memref<!tpu.dma_semaphore, #tpu.memory_space<semaphore_mem>>)
    %dma_wait3A_152 = arith.constant 0 : i32
    %dma_wait3A_153 = arith.constant 16 : i32
    %dma_wait3A_154 = arith.constant 0 : i32
    %dma_wait3A_155 = arith.constant 0 : i32
    %dma_wait3A_156 = arith.constant 0 : i32
    %dma_wait3A_157 = tpu.memref_slice %arg1[%dma_wait3A_152, %dma_wait3A_153, %dma_wait3A_154, %dma_wait3A_155, %dma_wait3A_156] : memref<4x32x3x224x224xf32, #tpu.memory_space<hbm>> -> memref<1x8x3x224x224xf32, #tpu.memory_space<hbm>>
    %dma_wait3A_158 = tpu.memref_squeeze %dma_wait3A_157 : memref<1x8x3x224x224xf32, #tpu.memory_space<hbm>> -> memref<8x3x224x224xf32, #tpu.memory_space<hbm>>
    tpu.wait_dma2 semaphore(%arg16 : memref<!tpu.dma_semaphore, #tpu.memory_space<semaphore_mem>>) src(%arg4 : memref<8x3x224x224xf32, #tpu.memory_space<vmem>>) dst(%dma_wait3A_158 : memref<8x3x224x224xf32, #tpu.memory_space<hbm>>)
    %dma_start3A_159 = arith.constant 2 : i32
    %dma_start3A_160 = arith.constant 0 : i32
    %dma_start3A_161 = arith.constant 0 : i32
    %dma_start3A_162 = arith.constant 0 : i32
    %dma_start3A_163 = arith.constant 0 : i32
    %dma_start3A_164 = tpu.memref_slice %arg0[%dma_start3A_159, %dma_start3A_160, %dma_start3A_161, %dma_start3A_162, %dma_start3A_163] : memref<4x32x3x224x224xf32, #tpu.memory_space<hbm>> -> memref<1x8x3x224x224xf32, #tpu.memory_space<hbm>>
    %dma_start3A_165 = tpu.memref_squeeze %dma_start3A_164 : memref<1x8x3x224x224xf32, #tpu.memory_space<hbm>> -> memref<8x3x224x224xf32, #tpu.memory_space<hbm>>
    tpu.enqueue_dma source(%dma_start3A_165 : memref<8x3x224x224xf32, #tpu.memory_space<hbm>>) target(%arg4 : memref<8x3x224x224xf32, #tpu.memory_space<vmem>>) target_semaphore(%arg10 : memref<!tpu.dma_semaphore, #tpu.memory_space<semaphore_mem>>)
    %dma_wait3A_166 = arith.constant 1 : i32
    %dma_wait3A_167 = arith.constant 16 : i32
    %dma_wait3A_168 = arith.constant 0 : i32
    %dma_wait3A_169 = arith.constant 0 : i32
    %dma_wait3A_170 = arith.constant 0 : i32
    %dma_wait3A_171 = tpu.memref_slice %arg0[%dma_wait3A_166, %dma_wait3A_167, %dma_wait3A_168, %dma_wait3A_169, %dma_wait3A_170] : memref<4x32x3x224x224xf32, #tpu.memory_space<hbm>> -> memref<1x8x3x224x224xf32, #tpu.memory_space<hbm>>
    %dma_wait3A_172 = tpu.memref_squeeze %dma_wait3A_171 : memref<1x8x3x224x224xf32, #tpu.memory_space<hbm>> -> memref<8x3x224x224xf32, #tpu.memory_space<hbm>>
    tpu.wait_dma2 semaphore(%arg8 : memref<!tpu.dma_semaphore, #tpu.memory_space<semaphore_mem>>) src(%dma_wait3A_172 : memref<8x3x224x224xf32, #tpu.memory_space<hbm>>) dst(%arg2 : memref<8x3x224x224xf32, #tpu.memory_space<vmem>>)
    %dma_start3A_173 = arith.constant 1 : i32
    %dma_start3A_174 = arith.constant 16 : i32
    %dma_start3A_175 = arith.constant 0 : i32
    %dma_start3A_176 = arith.constant 0 : i32
    %dma_start3A_177 = arith.constant 0 : i32
    %dma_start3A_178 = tpu.memref_slice %arg1[%dma_start3A_173, %dma_start3A_174, %dma_start3A_175, %dma_start3A_176, %dma_start3A_177] : memref<4x32x3x224x224xf32, #tpu.memory_space<hbm>> -> memref<1x8x3x224x224xf32, #tpu.memory_space<hbm>>
    %dma_start3A_179 = tpu.memref_squeeze %dma_start3A_178 : memref<1x8x3x224x224xf32, #tpu.memory_space<hbm>> -> memref<8x3x224x224xf32, #tpu.memory_space<hbm>>
    tpu.enqueue_dma source(%arg2 : memref<8x3x224x224xf32, #tpu.memory_space<vmem>>) target(%dma_start3A_179 : memref<8x3x224x224xf32, #tpu.memory_space<hbm>>) target_semaphore(%arg14 : memref<!tpu.dma_semaphore, #tpu.memory_space<semaphore_mem>>)
    %dma_wait3A_180 = arith.constant 0 : i32
    %dma_wait3A_181 = arith.constant 24 : i32
    %dma_wait3A_182 = arith.constant 0 : i32
    %dma_wait3A_183 = arith.constant 0 : i32
    %dma_wait3A_184 = arith.constant 0 : i32
    %dma_wait3A_185 = tpu.memref_slice %arg1[%dma_wait3A_180, %dma_wait3A_181, %dma_wait3A_182, %dma_wait3A_183, %dma_wait3A_184] : memref<4x32x3x224x224xf32, #tpu.memory_space<hbm>> -> memref<1x8x3x224x224xf32, #tpu.memory_space<hbm>>
    %dma_wait3A_186 = tpu.memref_squeeze %dma_wait3A_185 : memref<1x8x3x224x224xf32, #tpu.memory_space<hbm>> -> memref<8x3x224x224xf32, #tpu.memory_space<hbm>>
    tpu.wait_dma2 semaphore(%arg17 : memref<!tpu.dma_semaphore, #tpu.memory_space<semaphore_mem>>) src(%arg5 : memref<8x3x224x224xf32, #tpu.memory_space<vmem>>) dst(%dma_wait3A_186 : memref<8x3x224x224xf32, #tpu.memory_space<hbm>>)
    %dma_start3A_187 = arith.constant 2 : i32
    %dma_start3A_188 = arith.constant 8 : i32
    %dma_start3A_189 = arith.constant 0 : i32
    %dma_start3A_190 = arith.constant 0 : i32
    %dma_start3A_191 = arith.constant 0 : i32
    %dma_start3A_192 = tpu.memref_slice %arg0[%dma_start3A_187, %dma_start3A_188, %dma_start3A_189, %dma_start3A_190, %dma_start3A_191] : memref<4x32x3x224x224xf32, #tpu.memory_space<hbm>> -> memref<1x8x3x224x224xf32, #tpu.memory_space<hbm>>
    %dma_start3A_193 = tpu.memref_squeeze %dma_start3A_192 : memref<1x8x3x224x224xf32, #tpu.memory_space<hbm>> -> memref<8x3x224x224xf32, #tpu.memory_space<hbm>>
    tpu.enqueue_dma source(%dma_start3A_193 : memref<8x3x224x224xf32, #tpu.memory_space<hbm>>) target(%arg5 : memref<8x3x224x224xf32, #tpu.memory_space<vmem>>) target_semaphore(%arg11 : memref<!tpu.dma_semaphore, #tpu.memory_space<semaphore_mem>>)
    %dma_wait3A_194 = arith.constant 1 : i32
    %dma_wait3A_195 = arith.constant 24 : i32
    %dma_wait3A_196 = arith.constant 0 : i32
    %dma_wait3A_197 = arith.constant 0 : i32
    %dma_wait3A_198 = arith.constant 0 : i32
    %dma_wait3A_199 = tpu.memref_slice %arg0[%dma_wait3A_194, %dma_wait3A_195, %dma_wait3A_196, %dma_wait3A_197, %dma_wait3A_198] : memref<4x32x3x224x224xf32, #tpu.memory_space<hbm>> -> memref<1x8x3x224x224xf32, #tpu.memory_space<hbm>>
    %dma_wait3A_200 = tpu.memref_squeeze %dma_wait3A_199 : memref<1x8x3x224x224xf32, #tpu.memory_space<hbm>> -> memref<8x3x224x224xf32, #tpu.memory_space<hbm>>
    tpu.wait_dma2 semaphore(%arg9 : memref<!tpu.dma_semaphore, #tpu.memory_space<semaphore_mem>>) src(%dma_wait3A_200 : memref<8x3x224x224xf32, #tpu.memory_space<hbm>>) dst(%arg3 : memref<8x3x224x224xf32, #tpu.memory_space<vmem>>)
    %dma_start3A_201 = arith.constant 1 : i32
    %dma_start3A_202 = arith.constant 24 : i32
    %dma_start3A_203 = arith.constant 0 : i32
    %dma_start3A_204 = arith.constant 0 : i32
    %dma_start3A_205 = arith.constant 0 : i32
    %dma_start3A_206 = tpu.memref_slice %arg1[%dma_start3A_201, %dma_start3A_202, %dma_start3A_203, %dma_start3A_204, %dma_start3A_205] : memref<4x32x3x224x224xf32, #tpu.memory_space<hbm>> -> memref<1x8x3x224x224xf32, #tpu.memory_space<hbm>>
    %dma_start3A_207 = tpu.memref_squeeze %dma_start3A_206 : memref<1x8x3x224x224xf32, #tpu.memory_space<hbm>> -> memref<8x3x224x224xf32, #tpu.memory_space<hbm>>
    tpu.enqueue_dma source(%arg3 : memref<8x3x224x224xf32, #tpu.memory_space<vmem>>) target(%dma_start3A_207 : memref<8x3x224x224xf32, #tpu.memory_space<hbm>>) target_semaphore(%arg15 : memref<!tpu.dma_semaphore, #tpu.memory_space<semaphore_mem>>)
    %dma_wait3A_208 = arith.constant 1 : i32
    %dma_wait3A_209 = arith.constant 0 : i32
    %dma_wait3A_210 = arith.constant 0 : i32
    %dma_wait3A_211 = arith.constant 0 : i32
    %dma_wait3A_212 = arith.constant 0 : i32
    %dma_wait3A_213 = tpu.memref_slice %arg1[%dma_wait3A_208, %dma_wait3A_209, %dma_wait3A_210, %dma_wait3A_211, %dma_wait3A_212] : memref<4x32x3x224x224xf32, #tpu.memory_space<hbm>> -> memref<1x8x3x224x224xf32, #tpu.memory_space<hbm>>
    %dma_wait3A_214 = tpu.memref_squeeze %dma_wait3A_213 : memref<1x8x3x224x224xf32, #tpu.memory_space<hbm>> -> memref<8x3x224x224xf32, #tpu.memory_space<hbm>>
    tpu.wait_dma2 semaphore(%arg18 : memref<!tpu.dma_semaphore, #tpu.memory_space<semaphore_mem>>) src(%arg6 : memref<8x3x224x224xf32, #tpu.memory_space<vmem>>) dst(%dma_wait3A_214 : memref<8x3x224x224xf32, #tpu.memory_space<hbm>>)
    %dma_start3A_215 = arith.constant 2 : i32
    %dma_start3A_216 = arith.constant 16 : i32
    %dma_start3A_217 = arith.constant 0 : i32
    %dma_start3A_218 = arith.constant 0 : i32
    %dma_start3A_219 = arith.constant 0 : i32
    %dma_start3A_220 = tpu.memref_slice %arg0[%dma_start3A_215, %dma_start3A_216, %dma_start3A_217, %dma_start3A_218, %dma_start3A_219] : memref<4x32x3x224x224xf32, #tpu.memory_space<hbm>> -> memref<1x8x3x224x224xf32, #tpu.memory_space<hbm>>
    %dma_start3A_221 = tpu.memref_squeeze %dma_start3A_220 : memref<1x8x3x224x224xf32, #tpu.memory_space<hbm>> -> memref<8x3x224x224xf32, #tpu.memory_space<hbm>>
    tpu.enqueue_dma source(%dma_start3A_221 : memref<8x3x224x224xf32, #tpu.memory_space<hbm>>) target(%arg6 : memref<8x3x224x224xf32, #tpu.memory_space<vmem>>) target_semaphore(%arg12 : memref<!tpu.dma_semaphore, #tpu.memory_space<semaphore_mem>>)
    %dma_wait3A_222 = arith.constant 2 : i32
    %dma_wait3A_223 = arith.constant 0 : i32
    %dma_wait3A_224 = arith.constant 0 : i32
    %dma_wait3A_225 = arith.constant 0 : i32
    %dma_wait3A_226 = arith.constant 0 : i32
    %dma_wait3A_227 = tpu.memref_slice %arg0[%dma_wait3A_222, %dma_wait3A_223, %dma_wait3A_224, %dma_wait3A_225, %dma_wait3A_226] : memref<4x32x3x224x224xf32, #tpu.memory_space<hbm>> -> memref<1x8x3x224x224xf32, #tpu.memory_space<hbm>>
    %dma_wait3A_228 = tpu.memref_squeeze %dma_wait3A_227 : memref<1x8x3x224x224xf32, #tpu.memory_space<hbm>> -> memref<8x3x224x224xf32, #tpu.memory_space<hbm>>
    tpu.wait_dma2 semaphore(%arg10 : memref<!tpu.dma_semaphore, #tpu.memory_space<semaphore_mem>>) src(%dma_wait3A_228 : memref<8x3x224x224xf32, #tpu.memory_space<hbm>>) dst(%arg4 : memref<8x3x224x224xf32, #tpu.memory_space<vmem>>)
    %dma_start3A_229 = arith.constant 2 : i32
    %dma_start3A_230 = arith.constant 0 : i32
    %dma_start3A_231 = arith.constant 0 : i32
    %dma_start3A_232 = arith.constant 0 : i32
    %dma_start3A_233 = arith.constant 0 : i32
    %dma_start3A_234 = tpu.memref_slice %arg1[%dma_start3A_229, %dma_start3A_230, %dma_start3A_231, %dma_start3A_232, %dma_start3A_233] : memref<4x32x3x224x224xf32, #tpu.memory_space<hbm>> -> memref<1x8x3x224x224xf32, #tpu.memory_space<hbm>>
    %dma_start3A_235 = tpu.memref_squeeze %dma_start3A_234 : memref<1x8x3x224x224xf32, #tpu.memory_space<hbm>> -> memref<8x3x224x224xf32, #tpu.memory_space<hbm>>
    tpu.enqueue_dma source(%arg4 : memref<8x3x224x224xf32, #tpu.memory_space<vmem>>) target(%dma_start3A_235 : memref<8x3x224x224xf32, #tpu.memory_space<hbm>>) target_semaphore(%arg16 : memref<!tpu.dma_semaphore, #tpu.memory_space<semaphore_mem>>)
    %dma_wait3A_236 = arith.constant 1 : i32
    %dma_wait3A_237 = arith.constant 8 : i32
    %dma_wait3A_238 = arith.constant 0 : i32
    %dma_wait3A_239 = arith.constant 0 : i32
    %dma_wait3A_240 = arith.constant 0 : i32
    %dma_wait3A_241 = tpu.memref_slice %arg1[%dma_wait3A_236, %dma_wait3A_237, %dma_wait3A_238, %dma_wait3A_239, %dma_wait3A_240] : memref<4x32x3x224x224xf32, #tpu.memory_space<hbm>> -> memref<1x8x3x224x224xf32, #tpu.memory_space<hbm>>
    %dma_wait3A_242 = tpu.memref_squeeze %dma_wait3A_241 : memref<1x8x3x224x224xf32, #tpu.memory_space<hbm>> -> memref<8x3x224x224xf32, #tpu.memory_space<hbm>>
    tpu.wait_dma2 semaphore(%arg19 : memref<!tpu.dma_semaphore, #tpu.memory_space<semaphore_mem>>) src(%arg7 : memref<8x3x224x224xf32, #tpu.memory_space<vmem>>) dst(%dma_wait3A_242 : memref<8x3x224x224xf32, #tpu.memory_space<hbm>>)
    %dma_start3A_243 = arith.constant 2 : i32
    %dma_start3A_244 = arith.constant 24 : i32
    %dma_start3A_245 = arith.constant 0 : i32
    %dma_start3A_246 = arith.constant 0 : i32
    %dma_start3A_247 = arith.constant 0 : i32
    %dma_start3A_248 = tpu.memref_slice %arg0[%dma_start3A_243, %dma_start3A_244, %dma_start3A_245, %dma_start3A_246, %dma_start3A_247] : memref<4x32x3x224x224xf32, #tpu.memory_space<hbm>> -> memref<1x8x3x224x224xf32, #tpu.memory_space<hbm>>
    %dma_start3A_249 = tpu.memref_squeeze %dma_start3A_248 : memref<1x8x3x224x224xf32, #tpu.memory_space<hbm>> -> memref<8x3x224x224xf32, #tpu.memory_space<hbm>>
    tpu.enqueue_dma source(%dma_start3A_249 : memref<8x3x224x224xf32, #tpu.memory_space<hbm>>) target(%arg7 : memref<8x3x224x224xf32, #tpu.memory_space<vmem>>) target_semaphore(%arg13 : memref<!tpu.dma_semaphore, #tpu.memory_space<semaphore_mem>>)
    %dma_wait3A_250 = arith.constant 2 : i32
    %dma_wait3A_251 = arith.constant 8 : i32
    %dma_wait3A_252 = arith.constant 0 : i32
    %dma_wait3A_253 = arith.constant 0 : i32
    %dma_wait3A_254 = arith.constant 0 : i32
    %dma_wait3A_255 = tpu.memref_slice %arg0[%dma_wait3A_250, %dma_wait3A_251, %dma_wait3A_252, %dma_wait3A_253, %dma_wait3A_254] : memref<4x32x3x224x224xf32, #tpu.memory_space<hbm>> -> memref<1x8x3x224x224xf32, #tpu.memory_space<hbm>>
    %dma_wait3A_256 = tpu.memref_squeeze %dma_wait3A_255 : memref<1x8x3x224x224xf32, #tpu.memory_space<hbm>> -> memref<8x3x224x224xf32, #tpu.memory_space<hbm>>
    tpu.wait_dma2 semaphore(%arg11 : memref<!tpu.dma_semaphore, #tpu.memory_space<semaphore_mem>>) src(%dma_wait3A_256 : memref<8x3x224x224xf32, #tpu.memory_space<hbm>>) dst(%arg5 : memref<8x3x224x224xf32, #tpu.memory_space<vmem>>)
    %dma_start3A_257 = arith.constant 2 : i32
    %dma_start3A_258 = arith.constant 8 : i32
    %dma_start3A_259 = arith.constant 0 : i32
    %dma_start3A_260 = arith.constant 0 : i32
    %dma_start3A_261 = arith.constant 0 : i32
    %dma_start3A_262 = tpu.memref_slice %arg1[%dma_start3A_257, %dma_start3A_258, %dma_start3A_259, %dma_start3A_260, %dma_start3A_261] : memref<4x32x3x224x224xf32, #tpu.memory_space<hbm>> -> memref<1x8x3x224x224xf32, #tpu.memory_space<hbm>>
    %dma_start3A_263 = tpu.memref_squeeze %dma_start3A_262 : memref<1x8x3x224x224xf32, #tpu.memory_space<hbm>> -> memref<8x3x224x224xf32, #tpu.memory_space<hbm>>
    tpu.enqueue_dma source(%arg5 : memref<8x3x224x224xf32, #tpu.memory_space<vmem>>) target(%dma_start3A_263 : memref<8x3x224x224xf32, #tpu.memory_space<hbm>>) target_semaphore(%arg17 : memref<!tpu.dma_semaphore, #tpu.memory_space<semaphore_mem>>)
    %dma_wait3A_264 = arith.constant 1 : i32
    %dma_wait3A_265 = arith.constant 16 : i32
    %dma_wait3A_266 = arith.constant 0 : i32
    %dma_wait3A_267 = arith.constant 0 : i32
    %dma_wait3A_268 = arith.constant 0 : i32
    %dma_wait3A_269 = tpu.memref_slice %arg1[%dma_wait3A_264, %dma_wait3A_265, %dma_wait3A_266, %dma_wait3A_267, %dma_wait3A_268] : memref<4x32x3x224x224xf32, #tpu.memory_space<hbm>> -> memref<1x8x3x224x224xf32, #tpu.memory_space<hbm>>
    %dma_wait3A_270 = tpu.memref_squeeze %dma_wait3A_269 : memref<1x8x3x224x224xf32, #tpu.memory_space<hbm>> -> memref<8x3x224x224xf32, #tpu.memory_space<hbm>>
    tpu.wait_dma2 semaphore(%arg14 : memref<!tpu.dma_semaphore, #tpu.memory_space<semaphore_mem>>) src(%arg2 : memref<8x3x224x224xf32, #tpu.memory_space<vmem>>) dst(%dma_wait3A_270 : memref<8x3x224x224xf32, #tpu.memory_space<hbm>>)
    %dma_start3A_271 = arith.constant 3 : i32
    %dma_start3A_272 = arith.constant 0 : i32
    %dma_start3A_273 = arith.constant 0 : i32
    %dma_start3A_274 = arith.constant 0 : i32
    %dma_start3A_275 = arith.constant 0 : i32
    %dma_start3A_276 = tpu.memref_slice %arg0[%dma_start3A_271, %dma_start3A_272, %dma_start3A_273, %dma_start3A_274, %dma_start3A_275] : memref<4x32x3x224x224xf32, #tpu.memory_space<hbm>> -> memref<1x8x3x224x224xf32, #tpu.memory_space<hbm>>
    %dma_start3A_277 = tpu.memref_squeeze %dma_start3A_276 : memref<1x8x3x224x224xf32, #tpu.memory_space<hbm>> -> memref<8x3x224x224xf32, #tpu.memory_space<hbm>>
    tpu.enqueue_dma source(%dma_start3A_277 : memref<8x3x224x224xf32, #tpu.memory_space<hbm>>) target(%arg2 : memref<8x3x224x224xf32, #tpu.memory_space<vmem>>) target_semaphore(%arg8 : memref<!tpu.dma_semaphore, #tpu.memory_space<semaphore_mem>>)
    %dma_wait3A_278 = arith.constant 2 : i32
    %dma_wait3A_279 = arith.constant 16 : i32
    %dma_wait3A_280 = arith.constant 0 : i32
    %dma_wait3A_281 = arith.constant 0 : i32
    %dma_wait3A_282 = arith.constant 0 : i32
    %dma_wait3A_283 = tpu.memref_slice %arg0[%dma_wait3A_278, %dma_wait3A_279, %dma_wait3A_280, %dma_wait3A_281, %dma_wait3A_282] : memref<4x32x3x224x224xf32, #tpu.memory_space<hbm>> -> memref<1x8x3x224x224xf32, #tpu.memory_space<hbm>>
    %dma_wait3A_284 = tpu.memref_squeeze %dma_wait3A_283 : memref<1x8x3x224x224xf32, #tpu.memory_space<hbm>> -> memref<8x3x224x224xf32, #tpu.memory_space<hbm>>
    tpu.wait_dma2 semaphore(%arg12 : memref<!tpu.dma_semaphore, #tpu.memory_space<semaphore_mem>>) src(%dma_wait3A_284 : memref<8x3x224x224xf32, #tpu.memory_space<hbm>>) dst(%arg6 : memref<8x3x224x224xf32, #tpu.memory_space<vmem>>)
    %dma_start3A_285 = arith.constant 2 : i32
    %dma_start3A_286 = arith.constant 16 : i32
    %dma_start3A_287 = arith.constant 0 : i32
    %dma_start3A_288 = arith.constant 0 : i32
    %dma_start3A_289 = arith.constant 0 : i32
    %dma_start3A_290 = tpu.memref_slice %arg1[%dma_start3A_285, %dma_start3A_286, %dma_start3A_287, %dma_start3A_288, %dma_start3A_289] : memref<4x32x3x224x224xf32, #tpu.memory_space<hbm>> -> memref<1x8x3x224x224xf32, #tpu.memory_space<hbm>>
    %dma_start3A_291 = tpu.memref_squeeze %dma_start3A_290 : memref<1x8x3x224x224xf32, #tpu.memory_space<hbm>> -> memref<8x3x224x224xf32, #tpu.memory_space<hbm>>
    tpu.enqueue_dma source(%arg6 : memref<8x3x224x224xf32, #tpu.memory_space<vmem>>) target(%dma_start3A_291 : memref<8x3x224x224xf32, #tpu.memory_space<hbm>>) target_semaphore(%arg18 : memref<!tpu.dma_semaphore, #tpu.memory_space<semaphore_mem>>)
    %dma_wait3A_292 = arith.constant 1 : i32
    %dma_wait3A_293 = arith.constant 24 : i32
    %dma_wait3A_294 = arith.constant 0 : i32
    %dma_wait3A_295 = arith.constant 0 : i32
    %dma_wait3A_296 = arith.constant 0 : i32
    %dma_wait3A_297 = tpu.memref_slice %arg1[%dma_wait3A_292, %dma_wait3A_293, %dma_wait3A_294, %dma_wait3A_295, %dma_wait3A_296] : memref<4x32x3x224x224xf32, #tpu.memory_space<hbm>> -> memref<1x8x3x224x224xf32, #tpu.memory_space<hbm>>
    %dma_wait3A_298 = tpu.memref_squeeze %dma_wait3A_297 : memref<1x8x3x224x224xf32, #tpu.memory_space<hbm>> -> memref<8x3x224x224xf32, #tpu.memory_space<hbm>>
    tpu.wait_dma2 semaphore(%arg15 : memref<!tpu.dma_semaphore, #tpu.memory_space<semaphore_mem>>) src(%arg3 : memref<8x3x224x224xf32, #tpu.memory_space<vmem>>) dst(%dma_wait3A_298 : memref<8x3x224x224xf32, #tpu.memory_space<hbm>>)
    %dma_start3A_299 = arith.constant 3 : i32
    %dma_start3A_300 = arith.constant 8 : i32
    %dma_start3A_301 = arith.constant 0 : i32
    %dma_start3A_302 = arith.constant 0 : i32
    %dma_start3A_303 = arith.constant 0 : i32
    %dma_start3A_304 = tpu.memref_slice %arg0[%dma_start3A_299, %dma_start3A_300, %dma_start3A_301, %dma_start3A_302, %dma_start3A_303] : memref<4x32x3x224x224xf32, #tpu.memory_space<hbm>> -> memref<1x8x3x224x224xf32, #tpu.memory_space<hbm>>
    %dma_start3A_305 = tpu.memref_squeeze %dma_start3A_304 : memref<1x8x3x224x224xf32, #tpu.memory_space<hbm>> -> memref<8x3x224x224xf32, #tpu.memory_space<hbm>>
    tpu.enqueue_dma source(%dma_start3A_305 : memref<8x3x224x224xf32, #tpu.memory_space<hbm>>) target(%arg3 : memref<8x3x224x224xf32, #tpu.memory_space<vmem>>) target_semaphore(%arg9 : memref<!tpu.dma_semaphore, #tpu.memory_space<semaphore_mem>>)
    %dma_wait3A_306 = arith.constant 2 : i32
    %dma_wait3A_307 = arith.constant 24 : i32
    %dma_wait3A_308 = arith.constant 0 : i32
    %dma_wait3A_309 = arith.constant 0 : i32
    %dma_wait3A_310 = arith.constant 0 : i32
    %dma_wait3A_311 = tpu.memref_slice %arg0[%dma_wait3A_306, %dma_wait3A_307, %dma_wait3A_308, %dma_wait3A_309, %dma_wait3A_310] : memref<4x32x3x224x224xf32, #tpu.memory_space<hbm>> -> memref<1x8x3x224x224xf32, #tpu.memory_space<hbm>>
    %dma_wait3A_312 = tpu.memref_squeeze %dma_wait3A_311 : memref<1x8x3x224x224xf32, #tpu.memory_space<hbm>> -> memref<8x3x224x224xf32, #tpu.memory_space<hbm>>
    tpu.wait_dma2 semaphore(%arg13 : memref<!tpu.dma_semaphore, #tpu.memory_space<semaphore_mem>>) src(%dma_wait3A_312 : memref<8x3x224x224xf32, #tpu.memory_space<hbm>>) dst(%arg7 : memref<8x3x224x224xf32, #tpu.memory_space<vmem>>)
    %dma_start3A_313 = arith.constant 2 : i32
    %dma_start3A_314 = arith.constant 24 : i32
    %dma_start3A_315 = arith.constant 0 : i32
    %dma_start3A_316 = arith.constant 0 : i32
    %dma_start3A_317 = arith.constant 0 : i32
    %dma_start3A_318 = tpu.memref_slice %arg1[%dma_start3A_313, %dma_start3A_314, %dma_start3A_315, %dma_start3A_316, %dma_start3A_317] : memref<4x32x3x224x224xf32, #tpu.memory_space<hbm>> -> memref<1x8x3x224x224xf32, #tpu.memory_space<hbm>>
    %dma_start3A_319 = tpu.memref_squeeze %dma_start3A_318 : memref<1x8x3x224x224xf32, #tpu.memory_space<hbm>> -> memref<8x3x224x224xf32, #tpu.memory_space<hbm>>
    tpu.enqueue_dma source(%arg7 : memref<8x3x224x224xf32, #tpu.memory_space<vmem>>) target(%dma_start3A_319 : memref<8x3x224x224xf32, #tpu.memory_space<hbm>>) target_semaphore(%arg19 : memref<!tpu.dma_semaphore, #tpu.memory_space<semaphore_mem>>)
    %dma_wait3A_320 = arith.constant 2 : i32
    %dma_wait3A_321 = arith.constant 0 : i32
    %dma_wait3A_322 = arith.constant 0 : i32
    %dma_wait3A_323 = arith.constant 0 : i32
    %dma_wait3A_324 = arith.constant 0 : i32
    %dma_wait3A_325 = tpu.memref_slice %arg1[%dma_wait3A_320, %dma_wait3A_321, %dma_wait3A_322, %dma_wait3A_323, %dma_wait3A_324] : memref<4x32x3x224x224xf32, #tpu.memory_space<hbm>> -> memref<1x8x3x224x224xf32, #tpu.memory_space<hbm>>
    %dma_wait3A_326 = tpu.memref_squeeze %dma_wait3A_325 : memref<1x8x3x224x224xf32, #tpu.memory_space<hbm>> -> memref<8x3x224x224xf32, #tpu.memory_space<hbm>>
    tpu.wait_dma2 semaphore(%arg16 : memref<!tpu.dma_semaphore, #tpu.memory_space<semaphore_mem>>) src(%arg4 : memref<8x3x224x224xf32, #tpu.memory_space<vmem>>) dst(%dma_wait3A_326 : memref<8x3x224x224xf32, #tpu.memory_space<hbm>>)
    %dma_start3A_327 = arith.constant 3 : i32
    %dma_start3A_328 = arith.constant 16 : i32
    %dma_start3A_329 = arith.constant 0 : i32
    %dma_start3A_330 = arith.constant 0 : i32
    %dma_start3A_331 = arith.constant 0 : i32
    %dma_start3A_332 = tpu.memref_slice %arg0[%dma_start3A_327, %dma_start3A_328, %dma_start3A_329, %dma_start3A_330, %dma_start3A_331] : memref<4x32x3x224x224xf32, #tpu.memory_space<hbm>> -> memref<1x8x3x224x224xf32, #tpu.memory_space<hbm>>
    %dma_start3A_333 = tpu.memref_squeeze %dma_start3A_332 : memref<1x8x3x224x224xf32, #tpu.memory_space<hbm>> -> memref<8x3x224x224xf32, #tpu.memory_space<hbm>>
    tpu.enqueue_dma source(%dma_start3A_333 : memref<8x3x224x224xf32, #tpu.memory_space<hbm>>) target(%arg4 : memref<8x3x224x224xf32, #tpu.memory_space<vmem>>) target_semaphore(%arg10 : memref<!tpu.dma_semaphore, #tpu.memory_space<semaphore_mem>>)
    %dma_wait3A_334 = arith.constant 3 : i32
    %dma_wait3A_335 = arith.constant 0 : i32
    %dma_wait3A_336 = arith.constant 0 : i32
    %dma_wait3A_337 = arith.constant 0 : i32
    %dma_wait3A_338 = arith.constant 0 : i32
    %dma_wait3A_339 = tpu.memref_slice %arg0[%dma_wait3A_334, %dma_wait3A_335, %dma_wait3A_336, %dma_wait3A_337, %dma_wait3A_338] : memref<4x32x3x224x224xf32, #tpu.memory_space<hbm>> -> memref<1x8x3x224x224xf32, #tpu.memory_space<hbm>>
    %dma_wait3A_340 = tpu.memref_squeeze %dma_wait3A_339 : memref<1x8x3x224x224xf32, #tpu.memory_space<hbm>> -> memref<8x3x224x224xf32, #tpu.memory_space<hbm>>
    tpu.wait_dma2 semaphore(%arg8 : memref<!tpu.dma_semaphore, #tpu.memory_space<semaphore_mem>>) src(%dma_wait3A_340 : memref<8x3x224x224xf32, #tpu.memory_space<hbm>>) dst(%arg2 : memref<8x3x224x224xf32, #tpu.memory_space<vmem>>)
    %dma_start3A_341 = arith.constant 3 : i32
    %dma_start3A_342 = arith.constant 0 : i32
    %dma_start3A_343 = arith.constant 0 : i32
    %dma_start3A_344 = arith.constant 0 : i32
    %dma_start3A_345 = arith.constant 0 : i32
    %dma_start3A_346 = tpu.memref_slice %arg1[%dma_start3A_341, %dma_start3A_342, %dma_start3A_343, %dma_start3A_344, %dma_start3A_345] : memref<4x32x3x224x224xf32, #tpu.memory_space<hbm>> -> memref<1x8x3x224x224xf32, #tpu.memory_space<hbm>>
    %dma_start3A_347 = tpu.memref_squeeze %dma_start3A_346 : memref<1x8x3x224x224xf32, #tpu.memory_space<hbm>> -> memref<8x3x224x224xf32, #tpu.memory_space<hbm>>
    tpu.enqueue_dma source(%arg2 : memref<8x3x224x224xf32, #tpu.memory_space<vmem>>) target(%dma_start3A_347 : memref<8x3x224x224xf32, #tpu.memory_space<hbm>>) target_semaphore(%arg14 : memref<!tpu.dma_semaphore, #tpu.memory_space<semaphore_mem>>)
    %dma_wait3A_348 = arith.constant 2 : i32
    %dma_wait3A_349 = arith.constant 8 : i32
    %dma_wait3A_350 = arith.constant 0 : i32
    %dma_wait3A_351 = arith.constant 0 : i32
    %dma_wait3A_352 = arith.constant 0 : i32
    %dma_wait3A_353 = tpu.memref_slice %arg1[%dma_wait3A_348, %dma_wait3A_349, %dma_wait3A_350, %dma_wait3A_351, %dma_wait3A_352] : memref<4x32x3x224x224xf32, #tpu.memory_space<hbm>> -> memref<1x8x3x224x224xf32, #tpu.memory_space<hbm>>
    %dma_wait3A_354 = tpu.memref_squeeze %dma_wait3A_353 : memref<1x8x3x224x224xf32, #tpu.memory_space<hbm>> -> memref<8x3x224x224xf32, #tpu.memory_space<hbm>>
    tpu.wait_dma2 semaphore(%arg17 : memref<!tpu.dma_semaphore, #tpu.memory_space<semaphore_mem>>) src(%arg5 : memref<8x3x224x224xf32, #tpu.memory_space<vmem>>) dst(%dma_wait3A_354 : memref<8x3x224x224xf32, #tpu.memory_space<hbm>>)
    %dma_start3A_355 = arith.constant 3 : i32
    %dma_start3A_356 = arith.constant 24 : i32
    %dma_start3A_357 = arith.constant 0 : i32
    %dma_start3A_358 = arith.constant 0 : i32
    %dma_start3A_359 = arith.constant 0 : i32
    %dma_start3A_360 = tpu.memref_slice %arg0[%dma_start3A_355, %dma_start3A_356, %dma_start3A_357, %dma_start3A_358, %dma_start3A_359] : memref<4x32x3x224x224xf32, #tpu.memory_space<hbm>> -> memref<1x8x3x224x224xf32, #tpu.memory_space<hbm>>
    %dma_start3A_361 = tpu.memref_squeeze %dma_start3A_360 : memref<1x8x3x224x224xf32, #tpu.memory_space<hbm>> -> memref<8x3x224x224xf32, #tpu.memory_space<hbm>>
    tpu.enqueue_dma source(%dma_start3A_361 : memref<8x3x224x224xf32, #tpu.memory_space<hbm>>) target(%arg5 : memref<8x3x224x224xf32, #tpu.memory_space<vmem>>) target_semaphore(%arg11 : memref<!tpu.dma_semaphore, #tpu.memory_space<semaphore_mem>>)
    %dma_wait3A_362 = arith.constant 3 : i32
    %dma_wait3A_363 = arith.constant 8 : i32
    %dma_wait3A_364 = arith.constant 0 : i32
    %dma_wait3A_365 = arith.constant 0 : i32
    %dma_wait3A_366 = arith.constant 0 : i32
    %dma_wait3A_367 = tpu.memref_slice %arg0[%dma_wait3A_362, %dma_wait3A_363, %dma_wait3A_364, %dma_wait3A_365, %dma_wait3A_366] : memref<4x32x3x224x224xf32, #tpu.memory_space<hbm>> -> memref<1x8x3x224x224xf32, #tpu.memory_space<hbm>>
    %dma_wait3A_368 = tpu.memref_squeeze %dma_wait3A_367 : memref<1x8x3x224x224xf32, #tpu.memory_space<hbm>> -> memref<8x3x224x224xf32, #tpu.memory_space<hbm>>
    tpu.wait_dma2 semaphore(%arg9 : memref<!tpu.dma_semaphore, #tpu.memory_space<semaphore_mem>>) src(%dma_wait3A_368 : memref<8x3x224x224xf32, #tpu.memory_space<hbm>>) dst(%arg3 : memref<8x3x224x224xf32, #tpu.memory_space<vmem>>)
    %dma_start3A_369 = arith.constant 3 : i32
    %dma_start3A_370 = arith.constant 8 : i32
    %dma_start3A_371 = arith.constant 0 : i32
    %dma_start3A_372 = arith.constant 0 : i32
    %dma_start3A_373 = arith.constant 0 : i32
    %dma_start3A_374 = tpu.memref_slice %arg1[%dma_start3A_369, %dma_start3A_370, %dma_start3A_371, %dma_start3A_372, %dma_start3A_373] : memref<4x32x3x224x224xf32, #tpu.memory_space<hbm>> -> memref<1x8x3x224x224xf32, #tpu.memory_space<hbm>>
    %dma_start3A_375 = tpu.memref_squeeze %dma_start3A_374 : memref<1x8x3x224x224xf32, #tpu.memory_space<hbm>> -> memref<8x3x224x224xf32, #tpu.memory_space<hbm>>
    tpu.enqueue_dma source(%arg3 : memref<8x3x224x224xf32, #tpu.memory_space<vmem>>) target(%dma_start3A_375 : memref<8x3x224x224xf32, #tpu.memory_space<hbm>>) target_semaphore(%arg15 : memref<!tpu.dma_semaphore, #tpu.memory_space<semaphore_mem>>)
    %dma_wait3A_376 = arith.constant 3 : i32
    %dma_wait3A_377 = arith.constant 16 : i32
    %dma_wait3A_378 = arith.constant 0 : i32
    %dma_wait3A_379 = arith.constant 0 : i32
    %dma_wait3A_380 = arith.constant 0 : i32
    %dma_wait3A_381 = tpu.memref_slice %arg0[%dma_wait3A_376, %dma_wait3A_377, %dma_wait3A_378, %dma_wait3A_379, %dma_wait3A_380] : memref<4x32x3x224x224xf32, #tpu.memory_space<hbm>> -> memref<1x8x3x224x224xf32, #tpu.memory_space<hbm>>
    %dma_wait3A_382 = tpu.memref_squeeze %dma_wait3A_381 : memref<1x8x3x224x224xf32, #tpu.memory_space<hbm>> -> memref<8x3x224x224xf32, #tpu.memory_space<hbm>>
    tpu.wait_dma2 semaphore(%arg10 : memref<!tpu.dma_semaphore, #tpu.memory_space<semaphore_mem>>) src(%dma_wait3A_382 : memref<8x3x224x224xf32, #tpu.memory_space<hbm>>) dst(%arg4 : memref<8x3x224x224xf32, #tpu.memory_space<vmem>>)
    %dma_start3A_383 = arith.constant 3 : i32
    %dma_start3A_384 = arith.constant 16 : i32
    %dma_start3A_385 = arith.constant 0 : i32
    %dma_start3A_386 = arith.constant 0 : i32
    %dma_start3A_387 = arith.constant 0 : i32
    %dma_start3A_388 = tpu.memref_slice %arg1[%dma_start3A_383, %dma_start3A_384, %dma_start3A_385, %dma_start3A_386, %dma_start3A_387] : memref<4x32x3x224x224xf32, #tpu.memory_space<hbm>> -> memref<1x8x3x224x224xf32, #tpu.memory_space<hbm>>
    %dma_start3A_389 = tpu.memref_squeeze %dma_start3A_388 : memref<1x8x3x224x224xf32, #tpu.memory_space<hbm>> -> memref<8x3x224x224xf32, #tpu.memory_space<hbm>>
    tpu.enqueue_dma source(%arg4 : memref<8x3x224x224xf32, #tpu.memory_space<vmem>>) target(%dma_start3A_389 : memref<8x3x224x224xf32, #tpu.memory_space<hbm>>) target_semaphore(%arg16 : memref<!tpu.dma_semaphore, #tpu.memory_space<semaphore_mem>>)
    %dma_wait3A_390 = arith.constant 3 : i32
    %dma_wait3A_391 = arith.constant 24 : i32
    %dma_wait3A_392 = arith.constant 0 : i32
    %dma_wait3A_393 = arith.constant 0 : i32
    %dma_wait3A_394 = arith.constant 0 : i32
    %dma_wait3A_395 = tpu.memref_slice %arg0[%dma_wait3A_390, %dma_wait3A_391, %dma_wait3A_392, %dma_wait3A_393, %dma_wait3A_394] : memref<4x32x3x224x224xf32, #tpu.memory_space<hbm>> -> memref<1x8x3x224x224xf32, #tpu.memory_space<hbm>>
    %dma_wait3A_396 = tpu.memref_squeeze %dma_wait3A_395 : memref<1x8x3x224x224xf32, #tpu.memory_space<hbm>> -> memref<8x3x224x224xf32, #tpu.memory_space<hbm>>
    tpu.wait_dma2 semaphore(%arg11 : memref<!tpu.dma_semaphore, #tpu.memory_space<semaphore_mem>>) src(%dma_wait3A_396 : memref<8x3x224x224xf32, #tpu.memory_space<hbm>>) dst(%arg5 : memref<8x3x224x224xf32, #tpu.memory_space<vmem>>)
    %dma_start3A_397 = arith.constant 3 : i32
    %dma_start3A_398 = arith.constant 24 : i32
    %dma_start3A_399 = arith.constant 0 : i32
    %dma_start3A_400 = arith.constant 0 : i32
    %dma_start3A_401 = arith.constant 0 : i32
    %dma_start3A_402 = tpu.memref_slice %arg1[%dma_start3A_397, %dma_start3A_398, %dma_start3A_399, %dma_start3A_400, %dma_start3A_401] : memref<4x32x3x224x224xf32, #tpu.memory_space<hbm>> -> memref<1x8x3x224x224xf32, #tpu.memory_space<hbm>>
    %dma_start3A_403 = tpu.memref_squeeze %dma_start3A_402 : memref<1x8x3x224x224xf32, #tpu.memory_space<hbm>> -> memref<8x3x224x224xf32, #tpu.memory_space<hbm>>
    tpu.enqueue_dma source(%arg5 : memref<8x3x224x224xf32, #tpu.memory_space<vmem>>) target(%dma_start3A_403 : memref<8x3x224x224xf32, #tpu.memory_space<hbm>>) target_semaphore(%arg17 : memref<!tpu.dma_semaphore, #tpu.memory_space<semaphore_mem>>)
    %dma_wait3A_404 = arith.constant 2 : i32
    %dma_wait3A_405 = arith.constant 16 : i32
    %dma_wait3A_406 = arith.constant 0 : i32
    %dma_wait3A_407 = arith.constant 0 : i32
    %dma_wait3A_408 = arith.constant 0 : i32
    %dma_wait3A_409 = tpu.memref_slice %arg1[%dma_wait3A_404, %dma_wait3A_405, %dma_wait3A_406, %dma_wait3A_407, %dma_wait3A_408] : memref<4x32x3x224x224xf32, #tpu.memory_space<hbm>> -> memref<1x8x3x224x224xf32, #tpu.memory_space<hbm>>
    %dma_wait3A_410 = tpu.memref_squeeze %dma_wait3A_409 : memref<1x8x3x224x224xf32, #tpu.memory_space<hbm>> -> memref<8x3x224x224xf32, #tpu.memory_space<hbm>>
    tpu.wait_dma2 semaphore(%arg18 : memref<!tpu.dma_semaphore, #tpu.memory_space<semaphore_mem>>) src(%arg6 : memref<8x3x224x224xf32, #tpu.memory_space<vmem>>) dst(%dma_wait3A_410 : memref<8x3x224x224xf32, #tpu.memory_space<hbm>>)
    %dma_wait3A_411 = arith.constant 2 : i32
    %dma_wait3A_412 = arith.constant 24 : i32
    %dma_wait3A_413 = arith.constant 0 : i32
    %dma_wait3A_414 = arith.constant 0 : i32
    %dma_wait3A_415 = arith.constant 0 : i32
    %dma_wait3A_416 = tpu.memref_slice %arg1[%dma_wait3A_411, %dma_wait3A_412, %dma_wait3A_413, %dma_wait3A_414, %dma_wait3A_415] : memref<4x32x3x224x224xf32, #tpu.memory_space<hbm>> -> memref<1x8x3x224x224xf32, #tpu.memory_space<hbm>>
    %dma_wait3A_417 = tpu.memref_squeeze %dma_wait3A_416 : memref<1x8x3x224x224xf32, #tpu.memory_space<hbm>> -> memref<8x3x224x224xf32, #tpu.memory_space<hbm>>
    tpu.wait_dma2 semaphore(%arg19 : memref<!tpu.dma_semaphore, #tpu.memory_space<semaphore_mem>>) src(%arg7 : memref<8x3x224x224xf32, #tpu.memory_space<vmem>>) dst(%dma_wait3A_417 : memref<8x3x224x224xf32, #tpu.memory_space<hbm>>)
    %dma_wait3A_418 = arith.constant 3 : i32
    %dma_wait3A_419 = arith.constant 0 : i32
    %dma_wait3A_420 = arith.constant 0 : i32
    %dma_wait3A_421 = arith.constant 0 : i32
    %dma_wait3A_422 = arith.constant 0 : i32
    %dma_wait3A_423 = tpu.memref_slice %arg1[%dma_wait3A_418, %dma_wait3A_419, %dma_wait3A_420, %dma_wait3A_421, %dma_wait3A_422] : memref<4x32x3x224x224xf32, #tpu.memory_space<hbm>> -> memref<1x8x3x224x224xf32, #tpu.memory_space<hbm>>
    %dma_wait3A_424 = tpu.memref_squeeze %dma_wait3A_423 : memref<1x8x3x224x224xf32, #tpu.memory_space<hbm>> -> memref<8x3x224x224xf32, #tpu.memory_space<hbm>>
    tpu.wait_dma2 semaphore(%arg14 : memref<!tpu.dma_semaphore, #tpu.memory_space<semaphore_mem>>) src(%arg2 : memref<8x3x224x224xf32, #tpu.memory_space<vmem>>) dst(%dma_wait3A_424 : memref<8x3x224x224xf32, #tpu.memory_space<hbm>>)
    %dma_wait3A_425 = arith.constant 3 : i32
    %dma_wait3A_426 = arith.constant 8 : i32
    %dma_wait3A_427 = arith.constant 0 : i32
    %dma_wait3A_428 = arith.constant 0 : i32
    %dma_wait3A_429 = arith.constant 0 : i32
    %dma_wait3A_430 = tpu.memref_slice %arg1[%dma_wait3A_425, %dma_wait3A_426, %dma_wait3A_427, %dma_wait3A_428, %dma_wait3A_429] : memref<4x32x3x224x224xf32, #tpu.memory_space<hbm>> -> memref<1x8x3x224x224xf32, #tpu.memory_space<hbm>>
    %dma_wait3A_431 = tpu.memref_squeeze %dma_wait3A_430 : memref<1x8x3x224x224xf32, #tpu.memory_space<hbm>> -> memref<8x3x224x224xf32, #tpu.memory_space<hbm>>
    tpu.wait_dma2 semaphore(%arg15 : memref<!tpu.dma_semaphore, #tpu.memory_space<semaphore_mem>>) src(%arg3 : memref<8x3x224x224xf32, #tpu.memory_space<vmem>>) dst(%dma_wait3A_431 : memref<8x3x224x224xf32, #tpu.memory_space<hbm>>)
    %dma_wait3A_432 = arith.constant 3 : i32
    %dma_wait3A_433 = arith.constant 16 : i32
    %dma_wait3A_434 = arith.constant 0 : i32
    %dma_wait3A_435 = arith.constant 0 : i32
    %dma_wait3A_436 = arith.constant 0 : i32
    %dma_wait3A_437 = tpu.memref_slice %arg1[%dma_wait3A_432, %dma_wait3A_433, %dma_wait3A_434, %dma_wait3A_435, %dma_wait3A_436] : memref<4x32x3x224x224xf32, #tpu.memory_space<hbm>> -> memref<1x8x3x224x224xf32, #tpu.memory_space<hbm>>
    %dma_wait3A_438 = tpu.memref_squeeze %dma_wait3A_437 : memref<1x8x3x224x224xf32, #tpu.memory_space<hbm>> -> memref<8x3x224x224xf32, #tpu.memory_space<hbm>>
    tpu.wait_dma2 semaphore(%arg16 : memref<!tpu.dma_semaphore, #tpu.memory_space<semaphore_mem>>) src(%arg4 : memref<8x3x224x224xf32, #tpu.memory_space<vmem>>) dst(%dma_wait3A_438 : memref<8x3x224x224xf32, #tpu.memory_space<hbm>>)
    %dma_wait3A_439 = arith.constant 3 : i32
    %dma_wait3A_440 = arith.constant 24 : i32
    %dma_wait3A_441 = arith.constant 0 : i32
    %dma_wait3A_442 = arith.constant 0 : i32
    %dma_wait3A_443 = arith.constant 0 : i32
    %dma_wait3A_444 = tpu.memref_slice %arg1[%dma_wait3A_439, %dma_wait3A_440, %dma_wait3A_441, %dma_wait3A_442, %dma_wait3A_443] : memref<4x32x3x224x224xf32, #tpu.memory_space<hbm>> -> memref<1x8x3x224x224xf32, #tpu.memory_space<hbm>>
    %dma_wait3A_445 = tpu.memref_squeeze %dma_wait3A_444 : memref<1x8x3x224x224xf32, #tpu.memory_space<hbm>> -> memref<8x3x224x224xf32, #tpu.memory_space<hbm>>
    tpu.wait_dma2 semaphore(%arg17 : memref<!tpu.dma_semaphore, #tpu.memory_space<semaphore_mem>>) src(%arg5 : memref<8x3x224x224xf32, #tpu.memory_space<vmem>>) dst(%dma_wait3A_445 : memref<8x3x224x224xf32, #tpu.memory_space<hbm>>)
    return
  }
}

</mosaic_0001>

<sc_bundles>
// kernel: kernel.4.cloned.1.call-start
scs
__scs_entry_jumppad:
0x0: {  	(pc) =	sbr.rel $0x88, $3  }
0x1: {  	(tag) =	ssettag $0x0;
	lr =	simm.s32 $0x1  }
0x2: {  	[smem:$0x3FA0] =	sst lr;
	_ =	strace $0xD0000000  }
0x3: {  	_ = 	snop  }
0x4: {  	_ = 	snop  }
0x5: {  	_ = 	snop  }
0x6: {  	_ = 	snop  }
0x7: {  	_ = 	snop  }
__scs_overlays_trampoline_lowered:
0x8: {  	[smem:$0x3FAF] =	sst s0  }
0x9: {  	[smem:$0x3FB0] =	sst s1  }
0xa: {  	[smem:$0x3FB1] =	sst s2  }
0xb: {  	[smem:$0x3FB2] =	sst s3  }
0xc: {  	[smem:$0x3FB3] =	sst s4  }
0xd: {  	[smem:$0x3FB4] =	sst s5  }
0xe: {  	[smem:$0x3FB5] =	sst s6  }
0xf: {  	[smem:$0x3FB6] =	sst s7  }
0x10: {  	[smem:$0x3FB7] =	sst s8  }
0x11: {  	[smem:$0x3FB8] =	sst s9;
	s0 =	simm.s32 @!p0 $0x0  }
0x12: {  	s1 =	sld [smem:$0x3F9E];
	s0 =	simm.s32 @p0 $0x1  }
0x13: {  	[smem:$0x3FB9] =	sst s0;
	s0 =	simm.s32 @!p1 $0x0  }
0x14: {  	s2 =	sld [smem:$0x3F9D];
	s0 =	simm.s32 @p1 $0x1  }
0x15: {  	[smem:$0x3FBA] =	sst s0;
	s0 =	simm.s32 @!p2 $0x0  }
0x16: {  	s3 =	sld [smem:$0x3FDB];
	s0 =	simm.s32 @p2 $0x1  }
0x17: {  	s4 =	simm.s32 $0x1BF5;
	[smem:$0x3FBC] =	sst s0  }
0x18: {  	s0 =	sld [smem:$0x3F9F];
	_ =	swait.ge [sflag:s4], $0x0  }
0x19: {  	s7 =	sld [smem:$0x3FA0]  }
0x1a: {  	s8 =	sadd.s32 $0xFFFFE003, lr  }
0x1b: {  	s9 =	sadd.s32 $0xFFFFFEF7, lr;
	s5 =	simm.s32 $0xFFFFFFFF;
	p2 =	slt.u32 s8, $0xFFFFF086  }
0x1c: {  	p1 =	slt.u32 s9, $0xF7A;
	s5 =	simm.s32 @!p2 $0x0  }
0x1d: {  	s5 =	simm.s32 @p1 $0x1;
	p0 =	seq.s32 s7, s2  }
0x1e: {  	s7 =	smul.u32 @!p0 $0xF7A, s2;
	p2 =	seq.s32 @!p0 s5, $0x0  }
0x1f: {  	s9 =	smul.u32 $0xF7A, s1;
	s8 =	simm.s32 @!p0 $0x1BF5;
	p2 =	por !p2, p0  }
0x20: {  	[sflag:s8] =	ssyncset.s32 @!p0 $0xFFFFF086;
	s6 =	sadd.s32 @!p0 s3, s7;
	s7 =	simm.s32 @!p0 $0x108  }
0x21: {  	s3 =	sadd.s32 s3, s9;
	s6 =	sadd.s32 @!p0 $0x88, s6;
	s7 =	simm.s32 @p2 $0x1082  }
0x22: {  	[simem:s7], [sflag:s8] =	dma.local @!p0 [hbm:s6], $0xF7A  }
0x23: {  	s9 =	sor.u32 $0xD0000000, s2;
	s6 =	simm.s32 $0x108;
	_ =	swait.ge @!p0 [sflag:s8], $0x0  }
0x24: {  	s3 =	sadd.s32 $0x88, s3;
	s6 =	simm.s32 @!p1 $0x1082;
	[sflag:s4] =	ssyncset.s32 $0xFFFFF086  }
0x25: {  	[simem:s6], [sflag:s4] =	dma.local [hbm:s3], $0xF7A  }
0x26: {  	[smem:$0x3FA0] =	sst s1;
	(tag) =	ssettag s2;
	_ =	strace s9  }
0x27: {  	s1 =	sld [smem:$0x3FB0]  }
0x28: {  	s2 =	sld [smem:$0x3FB1]  }
0x29: {  	s4 =	sld [smem:$0x3FB3]  }
0x2a: {  	p0 =	seq.s32 s5, $0x0;
	s5 =	sld [smem:$0x3FB4]  }
0x2b: {  	s6 =	sld [smem:$0x3FB5]  }
0x2c: {  	s7 =	sld [smem:$0x3FB6]  }
0x2d: {  	s3 =	simm.s32 $0x108;
	s8 =	sld [smem:$0x3FB7]  }
0x2e: {  	s3 =	simm.s32 @!p0 $0x1082;
	s9 =	sld [smem:$0x3FB8]  }
0x2f: {  	lr =	sadd.s32 s0, s3;
	s0 =	sld [smem:$0x3FAF]  }
0x30: {  	s3 =	sld [smem:$0x3FB2]  }
0x31: {  	[smem:$0x3FBB] =	sst s10  }
0x32: {  	s10 =	sld [smem:$0x3FB9];
	_ =	sdelay $0x3  }
0x33: {  	p0 =	seq.s32 s10, $0x1;
	s10 =	sld [smem:$0x3FBB];
	_ =	sdelay $0x3  }
0x34: {  	[smem:$0x3FBB] =	sst s10  }
0x35: {  	s10 =	sld [smem:$0x3FBA];
	_ =	sdelay $0x3  }
0x36: {  	p1 =	seq.s32 s10, $0x1;
	s10 =	sld [smem:$0x3FBB];
	_ =	sdelay $0x3  }
0x37: {  	[smem:$0x3FBB] =	sst s10  }
0x38: {  	s10 =	sld [smem:$0x3FBC]  }
0x39: {  	_ = 	snop;
	(pc) =	sbr.ind lr, $3  }
0x3a: {  	_ = 	snop  }
0x3b: {  	_ = 	snop  }
0x3c: {  	p2 =	seq.s32 s10, $0x1;
	s10 =	sld [smem:$0x3FBB]  }
0x3d: {  	_ =	shalt  }
0x3e: {  	_ =	shalt  }
0x3f: {  	_ =	shalt  }
0x40: {  	_ =	shalt  }
0x41: {  	_ =	shalt  }
0x42: {  	_ =	shalt  }
0x43: {  	_ =	shalt  }
0x44: {  	_ =	shalt  }
0x45: {  	_ =	shalt  }
0x46: {  	_ =	shalt  }
0x47: {  	_ =	shalt  }
0x48: {  	_ =	shalt  }
0x49: {  	_ =	shalt  }
0x4a: {  	_ =	shalt  }
0x4b: {  	_ =	shalt  }
0x4c: {  	_ =	shalt  }
0x4d: {  	_ =	shalt  }
0x4e: {  	_ =	shalt  }
0x4f: {  	_ =	shalt  }
0x50: {  	_ =	shalt  }
0x51: {  	_ =	shalt  }
0x52: {  	_ =	shalt  }
0x53: {  	_ =	shalt  }
0x54: {  	_ =	shalt  }
0x55: {  	_ =	shalt  }
0x56: {  	_ =	shalt  }
0x57: {  	_ =	shalt  }
0x58: {  	_ =	shalt  }
0x59: {  	_ =	shalt  }
0x5a: {  	_ =	shalt  }
0x5b: {  	_ =	shalt  }
0x5c: {  	_ =	shalt  }
0x5d: {  	_ =	shalt  }
0x5e: {  	_ =	shalt  }
0x5f: {  	_ =	shalt  }
0x60: {  	_ =	shalt  }
0x61: {  	_ =	shalt  }
0x62: {  	_ =	shalt  }
0x63: {  	_ =	shalt  }
0x64: {  	_ =	shalt  }
0x65: {  	_ =	shalt  }
0x66: {  	_ =	shalt  }
0x67: {  	_ =	shalt  }
0x68: {  	_ =	shalt  }
0x69: {  	_ =	shalt  }
0x6a: {  	_ =	shalt  }
0x6b: {  	_ =	shalt  }
0x6c: {  	_ =	shalt  }
0x6d: {  	_ =	shalt  }
0x6e: {  	_ =	shalt  }
0x6f: {  	_ =	shalt  }
0x70: {  	_ =	shalt  }
0x71: {  	_ =	shalt  }
0x72: {  	_ =	shalt  }
0x73: {  	_ =	shalt  }
0x74: {  	_ =	shalt  }
0x75: {  	_ =	shalt  }
0x76: {  	_ =	shalt  }
0x77: {  	_ =	shalt  }
0x78: {  	_ =	shalt  }
0x79: {  	_ =	shalt  }
0x7a: {  	_ =	shalt  }
0x7b: {  	_ =	shalt  }
0x7c: {  	_ =	shalt  }
0x7d: {  	_ =	shalt  }
0x7e: {  	_ =	shalt  }
0x7f: {  	_ =	shalt  }
0x80: {  	_ =	shalt  }
0x81: {  	_ =	shalt  }
0x82: {  	_ =	shalt  }
0x83: {  	_ =	shalt  }
0x84: {  	_ =	shalt  }
0x85: {  	_ =	shalt  }
0x86: {  	_ =	shalt  }
0x87: {  	_ =	shalt  }
.Lfunc_end0:
.L_simem_size_0:
called_computation_lowered:
.L_overlay_start_0:
0x88: {  	s2 =	sld [smem:$0x3FD9]  }
0x89: {  	s3 =	sld [smem:$0x3FFE];
	_ =	sdelay $0x1  }
0x8a: {  	s1 =	srdreg.scid  }
0x8b: {  	s0 =	sand.u32 $0x1, s1  }
0x8c: {  	s15 =	sshll.u32 s0, $0xA;
	s2 =	sadd.s32 s3, s2  }
0x8d: {  	s2 =	sadd.s32 s2, s15  }
0x8e: {  	[smem:$0x3FC7] =	sst s2  }
0x8f: {  	_ = 	snop  }
0x90: {  	s2 =	sld [smem:$0x3FD0];
	_ =	sdelay $0x2  }
0x91: {  	s4 =	simm.s32 $0xA;
	s5 =	simm.s32 $0x10;
	s16 =	sld [smem:$0x3FC9]  }
0x92: {  	[smem:s5], [sflag:s4] =	dma.local [hbm:s2], $0x1  }
0x93: {  	_ =	swait.eq [sflag:s4], $0x1  }
0x94: {  	[sflag:s4] =	ssyncset.done $0x0  }
0x95: {  	[sflag:s4] =	ssyncadd.s32 $0xFFFFFFFF  }
0x96: {  	s17 =	sld [smem:$0x10];
	(tm) =	ssettm $0x1  }
0x97: {  	s18 =	sld [smem:$0x3FFB];
	_ =	sdelay $0x3  }
0x98: {  	_ =	strace s18  }
0x99: {  	s4 =	sld [smem:$0x3FFC];
	_ =	sdelay $0x3  }
0x9a: {  	_ =	strace s4  }
0x9b: {  	s4 =	sld [smem:$0x3FFD];
	_ =	sdelay $0x3  }
0x9c: {  	_ =	strace s4  }
0x9d: {  	_ =	strace $0x8FFFFFFF  }
0x9e: {  	s19 =	sld [smem:$0x3FDB];
	_ =	sdelay $0x1  }
0x9f: {  	s20 =	simm.s32 $_scs_section_size  }
0xa0: {  	s6 =	simm.s32 $_size__tile_overlayer_lowered;
	s7 =	simm.s32 $_tile_overlayer_lowered  }
0xa1: {  	s23 =	simm.s32 $0x1BFF;
	s22 =	sshll.u32 s7, $0x1;
	s4 =	sadd.s32 s20, s19  }
0xa2: {  	s8 =	simm.s32 $0x0;
	s21 =	sshll.u32 s6, $0x1;
	s6 =	sadd.s32 s22, s4  }
0xa3: {  	[timem:s8], [sflag:s23] =	dma.local [hbm:s6], s21  }
0xa4: {  	_ =	swait.ge [sflag:s23], s21  }
0xa5: {  	s5 =	ssub.s32 $0x0, s21;
	[sflag:s23] =	ssyncset.done $0x0  }
0xa6: {  	[sflag:s23] =	ssyncadd.s32 s5;
	_ =	sdelay $0x1  }
0xa7: {  	s24 =	simm.s32 $0x1B8B  }
0xa8: {  	_ =	swait.ge [sflag:s24], $0x1  }
0xa9: {  	[sflag:s24] =	ssyncset.done $0x0  }
0xaa: {  	s25 =	simm.s32 $0x1B8E;
	[sflag:s24] =	ssyncadd.s32 $0xFFFFFFFF  }
0xab: {  	s26 =	simm.s32 $execute0_lowered;
	[smem:$0x3FD2] =	sst s25  }
0xac: {  	s5 =	sshll.u32 s26, $0x1;
	_ =	strace $0x80000046;
	[dreg:$0x1] =	wrdreg $0xFFFFFFFF  }
0xad: {  	s28 =	simm.s32 $_size_execute0_lowered;
	s4 =	sadd.s32 s4, s5;
	[dreg:$0x0] =	wrdreg $0x0  }
0xae: {  	s5 =	sshll.u32 s28, $0x1;
	[dreg:$0x2] =	wrdreg s4  }
0xaf: {  	[dreg:$0x3] =	wrdreg s5  }
0xb0: {  	[dreg:$0x4] =	wrdreg $0xC0  }
0xb1: {  	_ =	task [dreg:s8], $0x5FFFF  }
0xb2: {  	[dreg:$0x1] =	wrdreg $0xFFFFFFFF  }
0xb3: {  	[dreg:$0x0] =	wrdreg $0x60  }
0xb4: {  	[dreg:$0x2] =	wrdreg s16  }
0xb5: {  	[dreg:$0x3] =	wrdreg s17  }
0xb6: {  	[dreg:$0x4] =	wrdreg $0x9  }
0xb7: {  	_ =	task.clear_ibuf [dreg:s8], $0x5FFFF;
	_ =	strace $0x90000046  }
0xb8: {  	s29 =	simm.s32 $0x9;
	_ =	strace $0x80000048  }
0xb9: {  	_ =	swait.ge [sflag:s29], $0x1  }
0xba: {  	[sflag:s29] =	ssyncadd.s32 $0xFFFFFFFF  }
0xbb: {  	_ =	strace $0x90000048  }
0xbc: {  	_ =	sfence  }
0xbd: {  	s30 =	sld [smem:$0x0];
	_ =	sdelay $0x2  }
0xbe: {  	s31 =	sshll.u32 s1, $0xD;
	s1 =	sshrl.u32 s1, $0x2  }
0xbf: {  	s3 =	sand.u32 $0x4000, s31;
	s1 =	sadd.s32 s1, s30  }
0xc0: {  	s0 =	sor.u32 s3, s0;
	s1 =	sshll.u32 s1, $0x11  }
0xc1: {  	s0 =	sor.u32 s1, s0  }
0xc2: {  	s0 =	sadd.s32 $0x8F2B, s0  }
0xc3: {  	[sflag:s0] =	ssyncadd.remote.s32 $0x1  }
0xc4: {  	_ =	sfence.sel $0xFFFF  }
0xc5: {  	[dreg:$0x0] =	wrdreg $0xFFFFFFFF;
	(pc) =	sbr.abs _section_cstart, $3  }
0xc6: {  	[dreg:$0x1] =	wrdreg $0xFFFFFFFF  }
0xc7: {  	_ =	task.clear_ibuf [dreg:s8], $0x2FFFF;
	_ =	strace $0x9FFFFFFF  }
0xc8: {  	(tm) =	ssettm $0x7FFFFFFF  }
0xc9: {  	_ =	shalt  }
tec
execute0_lowered:
.L_overlay_start_1:
0x0: {  	(tag) =	ssettag $0x1  }
0x1: {  	s1 =	srdreg.scid;
	s0 =	stileid.u32  }
0x2: {  	s26 =	sand.u32 $0x1, s1;
	s6 =	sand.u32 $0x7, s0  }
0x3: {  	s1 =	sshll.u32 s26, $0x4;
	s2 =	smul.u32 $0x47B, s6  }
0x4: {  	s3 =	smul.u32 $0x1F, s6;
	s1 =	sor.u32 s0, s1  }
0x5: {  	p1 =	sne.s32 s6, $0x0;
	p0 =	seq.s32 s1, $0x0;
	s2 =	sshrl.u32 s2, $0x8  }
0x6: {  	p0 =	por !p1, !p0;
	s3 =	ssub.s32 s3, s2  }
0x7: {  	s4 =	simm.s32 $0x1;
	p0 =	por !p0, !p0;
	s3 =	sand.u32 $0xFE, s3  }
0x8: {  	s1 =	sshrl.u32 s1, $0x3;
	s4 =	simm.s32 @!p0 $0x0;
	s3 =	sshrl.u32 s3, $0x1  }
0x9: {  	s5 =	ssub.s32 s1, s4;
	s28 =	sadd.s32 s2, s3  }
0xa: {  	s3 =	sshrl.u32 s28, $0x2;
	s4 =	smul.u32 $0x540000, s5  }
0xb: {  	s21 =	rddreg [dreg:$0x0];
	s3 =	smul.u32 $0x2A000, s3  }
0xc: {  	s23 =	rddreg [dreg:$0x1];
	s29 =	smul.u32 $0x2A000, s6;
	s6 =	simm.s32 $0x7000  }
0xd: {  	s1 =	rddreg [dreg:$0x2];
	s2 =	simm.s32 $0x0;
	s22 =	sadd.s32 s3, s4  }
0xe: {  	[smem:$0x7FF] =	sst s2;
	s4 =	sshrl.u32 s22, $0x3;
	s7 =	sadd.s32 $0x7000, s22  }
0xf: {  	_ =	strace $0x80000047;
	s4 =	sadd.s32 s21, s4;
	s7 =	sshrl.u32 s7, $0x3  }
0x10: {  	[tilespmem:s2], [sflag:$0x1] =	stream.linear.gather [hbm4b:s4+s2], $0x7000, $0x38;
	[tilespmem:$0x1C000] =	vst v63  }
0x11: {  	s8 =	smul.u32 $0x150000, s5;
	s3 =	simm.s32 $0x1;
	s5 =	sadd.s32 s21, s7  }
0x12: {  	[tilespmem:s6], [sflag:$0x2] =	stream.linear.gather [hbm4b:s5+s2], $0x7000, $0x38;
	[tilespmem:$0x1C000] =	vst v63  }
0x13: {  	s24 =	sadd.s32 s29, s8;
	_ =	swait.ge [sflag:s3], $0x7000  }
0x14: {  	s30 =	sadd.s32 $0xE000, s22;
	s7 =	sshrl.u32 s24, $0x3;
	[sflag:s3] =	ssyncset.done $0x0  }
0x15: {  	s8 =	sshrl.u32 s30, $0x3;
	s7 =	sadd.s32 s23, s7;
	[sflag:s3] =	ssyncadd.s32 $0xFFFF9000  }
0x16: {  	[hbm4b:s7+s2] =	stream.linear.scatter [tilespmem:s2], [sflag:$0x5], $0x7000, $0x38;
	[tilespmem:$0x1C000] =	vst v63  }
0x17: {  	s9 =	simm.s32 $0xE000;
	s10 =	simm.s32 $0x2;
	s8 =	sadd.s32 s21, s8  }
0x18: {  	[tilespmem:s9], [sflag:$0x3] =	stream.linear.gather [hbm4b:s8+s2], $0x7000, $0x38;
	[tilespmem:$0x1C000] =	vst v63  }
0x19: {  	s11 =	sadd.s32 $0x7000, s24;
	_ =	swait.ge [sflag:s10], $0x7000  }
0x1a: {  	s11 =	sshrl.u32 s11, $0x3;
	s12 =	sadd.s32 $0x15000, s22;
	[sflag:s10] =	ssyncset.done $0x0  }
0x1b: {  	s11 =	sadd.s32 s23, s11;
	s12 =	sshrl.u32 s12, $0x3;
	[sflag:s10] =	ssyncadd.s32 $0xFFFF9000  }
0x1c: {  	[hbm4b:s11+s2] =	stream.linear.scatter [tilespmem:s6], [sflag:$0x6], $0x7000, $0x38;
	[tilespmem:$0x1C000] =	vst v63  }
0x1d: {  	s13 =	simm.s32 $0x15000;
	s14 =	simm.s32 $0x3;
	s12 =	sadd.s32 s21, s12  }
0x1e: {  	[tilespmem:s13], [sflag:$0x4] =	stream.linear.gather [hbm4b:s12+s2], $0x7000, $0x38;
	[tilespmem:$0x1C000] =	vst v63  }
0x1f: {  	s15 =	sadd.s32 $0xE000, s24;
	_ =	swait.ge [sflag:s14], $0x7000  }
0x20: {  	s15 =	sshrl.u32 s15, $0x3;
	[sflag:s14] =	ssyncset.done $0x0  }
0x21: {  	s16 =	simm.s32 $0x5;
	s15 =	sadd.s32 s23, s15;
	[sflag:s14] =	ssyncadd.s32 $0xFFFF9000  }
0x22: {  	[hbm4b:s15+s2] =	stream.linear.scatter [tilespmem:s9], [sflag:$0x7], $0x7000, $0x38;
	[tilespmem:$0x1C000] =	vst v63  }
0x23: {  	s17 =	sadd.s32 $0x1C000, s22;
	_ =	swait.ge [sflag:s16], $0x7000  }
0x24: {  	s17 =	sshrl.u32 s17, $0x3;
	[sflag:s16] =	ssyncset.done $0x0  }
0x25: {  	s18 =	simm.s32 $0x4;
	s17 =	sadd.s32 s21, s17;
	[sflag:s16] =	ssyncadd.s32 $0xFFFF9000  }
0x26: {  	[tilespmem:s2], [sflag:$0x1] =	stream.linear.gather [hbm4b:s17+s2], $0x7000, $0x38;
	[tilespmem:$0x1C000] =	vst v63  }
0x27: {  	s19 =	sadd.s32 $0x15000, s24;
	_ =	swait.ge [sflag:s18], $0x7000  }
0x28: {  	s19 =	sshrl.u32 s19, $0x3;
	[sflag:s18] =	ssyncset.done $0x0  }
0x29: {  	s20 =	sadd.s32 s23, s19;
	s19 =	simm.s32 $0x6;
	[sflag:s18] =	ssyncadd.s32 $0xFFFF9000  }
0x2a: {  	[hbm4b:s20+s2] =	stream.linear.scatter [tilespmem:s13], [sflag:$0x8], $0x7000, $0x38;
	[tilespmem:$0x1C000] =	vst v63  }
0x2b: {  	s22 =	sadd.s32 $0x23000, s22;
	_ =	swait.ge [sflag:s19], $0x7000  }
0x2c: {  	s22 =	sshrl.u32 s22, $0x3;
	[sflag:s19] =	ssyncset.done $0x0  }
0x2d: {  	s21 =	sadd.s32 s21, s22;
	[sflag:s19] =	ssyncadd.s32 $0xFFFF9000  }
0x2e: {  	[tilespmem:s6], [sflag:$0x2] =	stream.linear.gather [hbm4b:s21+s2], $0x7000, $0x38;
	[tilespmem:$0x1C000] =	vst v63  }
0x2f: {  	s31 =	sadd.s32 $0x1C000, s24;
	_ =	swait.ge [sflag:s3], $0x7000  }
0x30: {  	s22 =	sshrl.u32 s31, $0x3;
	[sflag:s3] =	ssyncset.done $0x0  }
0x31: {  	s22 =	sadd.s32 s23, s22;
	[sflag:s3] =	ssyncadd.s32 $0xFFFF9000  }
0x32: {  	[hbm4b:s22+s2] =	stream.linear.scatter [tilespmem:s2], [sflag:$0x5], $0x7000, $0x38;
	[tilespmem:$0x1C000] =	vst v63  }
0x33: {  	s24 =	sadd.s32 $0x23000, s24;
	_ =	swait.ge [sflag:s10], $0x7000  }
0x34: {  	s24 =	sshrl.u32 s24, $0x3;
	[sflag:s10] =	ssyncset.done $0x0  }
0x35: {  	s23 =	sadd.s32 s23, s24;
	s24 =	simm.s32 $0x7;
	[sflag:s10] =	ssyncadd.s32 $0xFFFF9000  }
0x36: {  	[hbm4b:s23+s2] =	stream.linear.scatter [tilespmem:s6], [sflag:$0x6], $0x7000, $0x38;
	[tilespmem:$0x1C000] =	vst v63  }
0x37: {  	_ =	swait.ge [sflag:s24], $0x7000  }
0x38: {  	s26 =	ssub.s32 $0x2, s26;
	[sflag:s24] =	ssyncset.done $0x0  }
0x39: {  	s25 =	simm.s32 $0x8;
	s28 =	sshrl.u32 s26, $0x1;
	[sflag:s24] =	ssyncadd.s32 $0xFFFF9000  }
0x3a: {  	s26 =	ssub.s32 s26, s28;
	_ =	swait.ge [sflag:s25], $0x7000  }
0x3b: {  	s26 =	smax.u32 s26, $0x1;
	[sflag:s25] =	ssyncset.done $0x0  }
0x3c: {  	p0 =	sne.s32 s26, $0x1;
	[sflag:s25] =	ssyncadd.s32 $0xFFFF9000  }
.Ltmp0:
0x3d: {  	_ =	swait.ge [sflag:s16], $0x7000;
	(pc) =	sbr.rel @!p0 .LBB2_2-.Ltmp0, $4  }
0x3e: {  	[sflag:s16] =	ssyncset.done $0x0  }
0x3f: {  	[sflag:s16] =	ssyncadd.s32 $0xFFFF9000  }
0x40: {  	_ =	swait.ge [sflag:s19], $0x7000  }
0x41: {  	s26 =	sadd.s32 $0xFFFFFFFF, s26;
	[sflag:s19] =	ssyncset.done $0x0  }
.LBB2_1:
0x42: {  	p0 =	sne.s32 s26, $0x1;
	s26 =	sadd.s32 $0xFFFFFFFF, s26;
	[sflag:s19] =	ssyncadd.s32 $0xFFFF9000  }
0x43: {  	[tilespmem:s2], [sflag:$0x1] =	stream.linear.gather [hbm4b:s4+s2], $0x7000, $0x38;
	[tilespmem:$0x1C000] =	vst v63  }
0x44: {  	_ = 	snop  }
0x45: {  	[tilespmem:s6], [sflag:$0x2] =	stream.linear.gather [hbm4b:s5+s2], $0x7000, $0x38;
	[tilespmem:$0x1C000] =	vst v63  }
0x46: {  	_ =	swait.ge [sflag:s3], $0x7000  }
0x47: {  	[sflag:s3] =	ssyncset.done $0x0  }
0x48: {  	[sflag:s3] =	ssyncadd.s32 $0xFFFF9000  }
0x49: {  	[hbm4b:s7+s2] =	stream.linear.scatter [tilespmem:s2], [sflag:$0x5], $0x7000, $0x38;
	[tilespmem:$0x1C000] =	vst v63  }
0x4a: {  	_ = 	snop  }
0x4b: {  	[tilespmem:s9], [sflag:$0x3] =	stream.linear.gather [hbm4b:s8+s2], $0x7000, $0x38;
	[tilespmem:$0x1C000] =	vst v63  }
0x4c: {  	_ =	swait.ge [sflag:s10], $0x7000  }
0x4d: {  	[sflag:s10] =	ssyncset.done $0x0  }
0x4e: {  	[sflag:s10] =	ssyncadd.s32 $0xFFFF9000  }
0x4f: {  	[hbm4b:s11+s2] =	stream.linear.scatter [tilespmem:s6], [sflag:$0x6], $0x7000, $0x38;
	[tilespmem:$0x1C000] =	vst v63  }
0x50: {  	_ = 	snop  }
0x51: {  	[tilespmem:s13], [sflag:$0x4] =	stream.linear.gather [hbm4b:s12+s2], $0x7000, $0x38;
	[tilespmem:$0x1C000] =	vst v63  }
0x52: {  	_ =	swait.ge [sflag:s14], $0x7000  }
0x53: {  	[sflag:s14] =	ssyncset.done $0x0  }
0x54: {  	[sflag:s14] =	ssyncadd.s32 $0xFFFF9000  }
0x55: {  	[hbm4b:s15+s2] =	stream.linear.scatter [tilespmem:s9], [sflag:$0x7], $0x7000, $0x38;
	[tilespmem:$0x1C000] =	vst v63  }
0x56: {  	_ =	swait.ge [sflag:s16], $0x7000  }
0x57: {  	[sflag:s16] =	ssyncset.done $0x0  }
0x58: {  	[sflag:s16] =	ssyncadd.s32 $0xFFFF9000  }
0x59: {  	[tilespmem:s2], [sflag:$0x1] =	stream.linear.gather [hbm4b:s17+s2], $0x7000, $0x38;
	[tilespmem:$0x1C000] =	vst v63  }
0x5a: {  	_ =	swait.ge [sflag:s18], $0x7000  }
0x5b: {  	[sflag:s18] =	ssyncset.done $0x0  }
0x5c: {  	[sflag:s18] =	ssyncadd.s32 $0xFFFF9000  }
0x5d: {  	[hbm4b:s20+s2] =	stream.linear.scatter [tilespmem:s13], [sflag:$0x8], $0x7000, $0x38;
	[tilespmem:$0x1C000] =	vst v63  }
0x5e: {  	_ =	swait.ge [sflag:s19], $0x7000  }
0x5f: {  	[sflag:s19] =	ssyncset.done $0x0  }
0x60: {  	[sflag:s19] =	ssyncadd.s32 $0xFFFF9000  }
0x61: {  	[tilespmem:s6], [sflag:$0x2] =	stream.linear.gather [hbm4b:s21+s2], $0x7000, $0x38;
	[tilespmem:$0x1C000] =	vst v63  }
0x62: {  	_ =	swait.ge [sflag:s3], $0x7000  }
0x63: {  	[sflag:s3] =	ssyncset.done $0x0  }
0x64: {  	[sflag:s3] =	ssyncadd.s32 $0xFFFF9000  }
0x65: {  	[hbm4b:s22+s2] =	stream.linear.scatter [tilespmem:s2], [sflag:$0x5], $0x7000, $0x38;
	[tilespmem:$0x1C000] =	vst v63  }
0x66: {  	_ =	swait.ge [sflag:s10], $0x7000  }
0x67: {  	[sflag:s10] =	ssyncset.done $0x0  }
0x68: {  	[sflag:s10] =	ssyncadd.s32 $0xFFFF9000  }
0x69: {  	[hbm4b:s23+s2] =	stream.linear.scatter [tilespmem:s6], [sflag:$0x6], $0x7000, $0x38;
	[tilespmem:$0x1C000] =	vst v63  }
0x6a: {  	_ =	swait.ge [sflag:s24], $0x7000  }
0x6b: {  	[sflag:s24] =	ssyncset.done $0x0  }
0x6c: {  	[sflag:s24] =	ssyncadd.s32 $0xFFFF9000  }
0x6d: {  	_ =	swait.ge [sflag:s25], $0x7000  }
0x6e: {  	[sflag:s25] =	ssyncset.done $0x0  }
0x6f: {  	[sflag:s25] =	ssyncadd.s32 $0xFFFF9000  }
.Ltmp1:
0x70: {  	_ =	swait.ge [sflag:s16], $0x7000;
	(pc) =	sbr.rel @p0 .LBB2_1-.Ltmp1, $4  }
0x71: {  	[sflag:s16] =	ssyncset.done $0x0  }
0x72: {  	[sflag:s16] =	ssyncadd.s32 $0xFFFF9000  }
0x73: {  	_ =	swait.ge [sflag:s19], $0x7000  }
0x74: {  	[sflag:s19] =	ssyncset.done $0x0  }
.LBB2_2:
0x75: {  	[sflag:s19] =	ssyncadd.s32 $0xFFFF9000  }
0x76: {  	_ =	sfence.sel $0x180000  }
0x77: {  	[bflag:$0x0] =	sbarrier.arrive $0xFFFF  }
0x78: {  	p0 =	sne.s32 s0, $0x0;
	_ =	strace $0x90000047  }
0x79: {  	s0 =	sadd.s32 @!p0 $0x100000, s1;
	[bflag:$0x2] =	sbarrier.arrive $0xFFFF  }
0x7a: {  	[sflag:s0] =	ssyncadd.tile.s32 @!p0 $0x1;
	_ =	shalt  }
.Lfunc_end2:
_tile_overlayer_lowered:
.L_overlay_start_2:
0x7b: {  	(tag) =	ssettag $0x2  }
0x7c: {  	s0 =	rddreg [dreg:$0x0];
	s2 =	stileid.u32  }
0x7d: {  	s1 =	rddreg [dreg:$0x1];
	p0 =	sne.s32 s2, $0x0  }
0x7e: {  	s3 =	rddreg [dreg:$0x2];
	[bflag:$0x3] =	sbarrier.arrive $0xFFFF;
	s2 =	simm.s32 @!p0 $0x1C09  }
0x7f: {  	[timem:s3], [sflag:s2] =	dma.local @!p0 [hbm:s0], s1  }
0x80: {  	s0 =	simm.s32 @!p0 $0x9  }
0x81: {  	_ =	swait.ge @!p0 [sflag:s0], s1  }
0x82: {  	s1 =	ssub.s32 @!p0 $0x0, s1;
	[sflag:s0] =	ssyncset.done @!p0 $0x0  }
0x83: {  	[sflag:s0] =	ssyncadd.s32 @!p0 s1  }
0x84: {  	[bflag:$0x3] =	sbarrier.arrive $0xFFFF  }
0x85: {  	_ =	shalt  }

</sc_bundles>
